<compile_context>
chip_gen: v7x
topology: tpu7x:2x2x1
jax: 0.10.2.dev20260603
libtpu: 0.0.44.dev20260713+nightly
codegen_flags: <defaults>
</compile_context>

<pallas_src>
import functools

import jax
import jax.numpy as jnp
from jax import lax
from jax.experimental import pallas as pl
from jax.experimental.pallas import tpu as pltpu
from jax.experimental.pallas import tpu_sc as plsc

B = 4096
F = 26
V = 100000
D = 32
NUM = 13
H1 = 512
H2 = 256
OUT = 100
EPS = 1e-5

NC = 2
NS = 16
NW = NC * NS
CHUNK = 128
NBLK = B // CHUNK
NCHUNK = F * NBLK // NW
RPW = F * D // NW


def _gather_call(tabT, idxT, fh):
    mesh = plsc.VectorSubcoreMesh(
        core_axis_name="c", subcore_axis_name="s", num_cores=NC, num_subcores=NS
    )
    rpw = fh * D // NW

    @functools.partial(
        pl.kernel,
        mesh=mesh,
        compiler_params=pltpu.CompilerParams(
            use_tc_tiling_on_sc=False, needs_layout_passes=False),
        out_type=jax.ShapeDtypeStruct((fh, D, B), jnp.float32),
        scratch_types=[
            pltpu.VMEM((V,), jnp.float32),
            pltpu.VMEM((B,), jnp.int32),
            pltpu.VMEM((2, B), jnp.float32),
            [pltpu.SemaphoreType.DMA] * 2,
        ],
    )
    def gather_k(tab_hbm, idx_hbm, out_hbm, row_v, idx_v, stage_v, osems):
        wid = lax.axis_index("s") * NC + lax.axis_index("c")
        r0 = wid * rpw
        pltpu.sync_copy(idx_hbm.at[r0 // D], idx_v)

        def do_row(r, ob, prev_f):
            f = r // D
            d = r % D

            @pl.when(f != prev_f)
            def _():
                pltpu.sync_copy(idx_hbm.at[f], idx_v)

            pltpu.sync_copy(tab_hbm.at[f].at[d], row_v)

            def grp(g, c2):
                s = pl.ds(g * 16, 16)
                stage_v[ob, s] = plsc.load_gather(row_v, [idx_v[s]])
                return c2

            lax.fori_loop(0, B // 16, grp, 0)
            pltpu.async_copy(stage_v.at[ob], out_hbm.at[f].at[d], osems[ob])
            return f

        def pair(p, prev_f):
            r = r0 + p * 2
            prev_f = do_row(r, 0, prev_f)

            @pl.when(p > 0)
            def _():
                pltpu.make_async_copy(
                    stage_v.at[1], out_hbm.at[0].at[0], osems[1]).wait()

            prev_f = do_row(r + 1, 1, prev_f)
            pltpu.make_async_copy(
                stage_v.at[0], out_hbm.at[0].at[0], osems[0]).wait()
            return prev_f

        last_f = lax.fori_loop(0, rpw // 2, pair, r0 // D)
        pltpu.make_async_copy(stage_v.at[1], out_hbm.at[0].at[0],
                              osems[1]).wait()
        if rpw % 2:
            do_row(r0 + rpw - 1, 0, last_f)
            pltpu.make_async_copy(stage_v.at[0], out_hbm.at[0].at[0],
                                  osems[0]).wait()

    return gather_k(tabT, idxT)


def _bn(x, g, b):
    m = jnp.mean(x, axis=0, keepdims=True)
    v = jnp.mean((x - m) * (x - m), axis=0, keepdims=True)
    return g * (x - m) / jnp.sqrt(v + EPS) + b


def _mlp_body(emb_ref, xn_ref, bng_ref, bnb_ref, w1e_ref, w1n_ref, b1_ref,
              g1_ref, be1_ref, w2_ref, b2_ref, g2_ref, be2_ref, w3_ref,
              b3_ref, out_ref):
    dn = (((1,), (1,)), ((), ()))
    xnb = _bn(xn_ref[:], bng_ref[:], bnb_ref[:])
    h = lax.dot_general(emb_ref[:], w1e_ref[:], dn,
                        preferred_element_type=jnp.float32)
    h = h + lax.dot_general(xnb, w1n_ref[:], dn,
                            preferred_element_type=jnp.float32)
    h = jnp.maximum(h + b1_ref[:], 0.0)
    h = _bn(h, g1_ref[:], be1_ref[:])
    h = lax.dot_general(h, w2_ref[:], dn, preferred_element_type=jnp.float32)
    h = jnp.maximum(h + b2_ref[:], 0.0)
    h = _bn(h, g2_ref[:], be2_ref[:])
    out_ref[:] = (
        lax.dot_general(h, w3_ref[:], dn, preferred_element_type=jnp.float32)
        + b3_ref[:]
    )


def kernel(x_categorical, x_numerical, emb_tables, bn_num_g, bn_num_b,
           W1, b1, g1, be1, W2, b2, g2, be2, W3, b3):
    idxT = x_categorical.astype(jnp.int32).T
    tabT = emb_tables.transpose(0, 2, 1)
    emb4 = _gather_call(tabT, idxT, F)
    emb = emb4.transpose(2, 0, 1).reshape(B, F * D)

    out = pl.pallas_call(
        _mlp_body,
        out_shape=jax.ShapeDtypeStruct((B, OUT), jnp.float32),
    )(
        emb,
        x_numerical,
        bn_num_g[None, :],
        bn_num_b[None, :],
        W1[:, : F * D],
        W1[:, F * D:],
        b1[None, :],
        g1[None, :],
        be1[None, :],
        W2,
        b2[None, :],
        g2[None, :],
        be2[None, :],
        W3,
        b3[None, :],
    )
    return out

# --- scband reference (transcript-rebuilt; emitter-appended) ---
"""Pipeline reference for scband-model-12094627905536 (READ-ONLY COPY).

The authoritative reference and input builder live on the scoring server;
editing this copy changes nothing except your own understanding.
"""

import jax, jax.numpy as jnp
import numpy as np

B = 4096
F = 26
V = 100000
D = 32
NUM = 13
H1 = 512
H2 = 256
OUT = 100
EPS = 1e-5


def _batchnorm(x, g, b):
    m = jnp.mean(x, axis=0)
    v = jnp.var(x, axis=0)
    return g * (x - m) / jnp.sqrt(v + EPS) + b


def setup_inputs(seed: int = 0) -> dict:
    key = jax.random.key(seed)
    ks = jax.random.split(key, 12)
    d_in = F * D + NUM
    x_categorical = jax.random.randint(ks[0], (B, F), 0, V, dtype=jnp.int64 if jax.config.jax_enable_x64 else jnp.int32)
    x_numerical = jax.random.normal(ks[1], (B, NUM), dtype=jnp.float32)
    emb_tables = jax.random.normal(ks[2], (F, V, D), dtype=jnp.float32) * 0.02
    bn_num_g = jnp.ones((NUM,), dtype=jnp.float32)
    bn_num_b = jnp.zeros((NUM,), dtype=jnp.float32)
    W1 = jax.random.normal(ks[3], (H1, d_in), dtype=jnp.float32) * (1.0 / np.sqrt(d_in))
    b1 = jnp.zeros((H1,), dtype=jnp.float32)
    g1 = jnp.ones((H1,), dtype=jnp.float32)
    be1 = jnp.zeros((H1,), dtype=jnp.float32)
    W2 = jax.random.normal(ks[4], (H2, H1), dtype=jnp.float32) * (1.0 / np.sqrt(H1))
    b2 = jnp.zeros((H2,), dtype=jnp.float32)
    g2 = jnp.ones((H2,), dtype=jnp.float32)
    be2 = jnp.zeros((H2,), dtype=jnp.float32)
    W3 = jax.random.normal(ks[5], (OUT, H2), dtype=jnp.float32) * (1.0 / np.sqrt(H2))
    b3 = jnp.zeros((OUT,), dtype=jnp.float32)
    return {
        "x_categorical": x_categorical,
        "x_numerical": x_numerical,
        "emb_tables": emb_tables,
        "bn_num_g": bn_num_g,
        "bn_num_b": bn_num_b,
        "W1": W1, "b1": b1, "g1": g1, "be1": be1,
        "W2": W2, "b2": b2, "g2": g2, "be2": be2,
        "W3": W3, "b3": b3,
    }


def reference(x_categorical, x_numerical, emb_tables, bn_num_g, bn_num_b,
              W1, b1, g1, be1, W2, b2, g2, be2, W3, b3):
    # per-field embedding lookup: emb_tables[d][x_categorical[:, d]] for each field d
    field_idx = jnp.arange(F)
    emb = emb_tables[field_idx[None, :], x_categorical]  # [B, F, D]
    emb = emb.reshape(B, F * D)
    # dropout is identity in eval mode
    x_num = _batchnorm(x_numerical, bn_num_g, bn_num_b)
    x = jnp.concatenate([emb, x_num], axis=1)
    # layer 1: Linear -> ReLU -> BatchNorm1d -> (Dropout identity)
    x = x @ W1.T + b1
    x = jax.nn.relu(x)
    x = _batchnorm(x, g1, be1)
    # layer 2
    x = x @ W2.T + b2
    x = jax.nn.relu(x)
    x = _batchnorm(x, g2, be2)
    # output
    x = x @ W3.T + b3
    return x

if __name__ == "__main__":
    import jax
    _d = setup_inputs()
    print(jax.jit(kernel)(*tuple(_d.values())))

</pallas_src>

<mosaic_0001>
#map = affine_map<(d0, d1) -> (0, 0, 0)>
#map1 = affine_map<(d0, d1) -> (0, 0)>
module attributes {stable_mosaic.version = 14 : i64} {
  func.func @gather_k(%arg0: i32, %arg1: i32, %arg2: memref<26x32x100000xf32, #tpu.memory_space<hbm>>, %arg3: memref<26x4096xi32, #tpu.memory_space<hbm>>, %arg4: memref<26x32x4096xf32, #tpu.memory_space<hbm>>, %arg5: memref<100000xf32, #tpu.memory_space<vmem>>, %arg6: memref<4096xi32, #tpu.memory_space<vmem>>, %arg7: memref<2x4096xf32, #tpu.memory_space<vmem>>, %arg8: memref<!tpu.dma_semaphore, #tpu.memory_space<semaphore_mem>>, %arg9: memref<!tpu.dma_semaphore, #tpu.memory_space<semaphore_mem>>) attributes {dimension_semantics = [#tpu.dimension_semantics<core_parallel>, #tpu.dimension_semantics<subcore_parallel>], iteration_bounds = array<i64: 2, 16>, scalar_prefetch = 0 : i64, scratch_operands = 5 : i64, tpu.core_type = #tpu.core_type<sc_vector_subcore>, window_params = [{transform_indices = #map}, {transform_indices = #map1}, {transform_indices = #map}]} {
    %mul3A = arith.constant 2 : i32
    %mul3A_0 = arith.muli %arg1, %mul3A : i32
    %add3A = arith.addi %mul3A_0, %arg0 : i32
    %mul3A_1 = arith.constant 26 : i32
    %mul3A_2 = arith.muli %add3A, %mul3A_1 : i32
    %jit3A = arith.constant 32 : i32
    %div3A = arith.divsi %mul3A_2, %jit3A : i32
    %sign3A = arith.constant 0 : i32
    %sign3A_3 = arith.cmpi sgt, %mul3A_2, %sign3A : i32
    %sign3A_4 = arith.extui %sign3A_3 : i1 to i32
    %sign3A_5 = arith.constant 0 : i32
    %sign3A_6 = arith.cmpi slt, %mul3A_2, %sign3A_5 : i32
    %sign3A_7 = arith.extui %sign3A_6 : i1 to i32
    %sign3A_8 = arith.subi %sign3A_4, %sign3A_7 : i32
    %sign3A_9 = arith.constant 0 : i32
    %sign3A_10 = arith.cmpi sgt, %jit3A, %sign3A_9 : i32
    %sign3A_11 = arith.extui %sign3A_10 : i1 to i32
    %sign3A_12 = arith.constant 0 : i32
    %sign3A_13 = arith.cmpi slt, %jit3A, %sign3A_12 : i32
    %sign3A_14 = arith.extui %sign3A_13 : i1 to i32
    %sign3A_15 = arith.subi %sign3A_11, %sign3A_14 : i32
    %ne3A = arith.cmpi ne, %sign3A_8, %sign3A_15 : i32
    %rem3A = arith.remsi %mul3A_2, %jit3A : i32
    %ne3A_16 = arith.constant 0 : i32
    %ne3A_17 = arith.cmpi ne, %rem3A, %ne3A_16 : i32
    %and3A = arith.andi %ne3A, %ne3A_17 : i1
    %sub3A = arith.constant 1 : i32
    %sub3A_18 = arith.subi %div3A, %sub3A : i32
    %select_n3A = arith.select %and3A, %sub3A_18, %div3A : i32
    "tpu.region"() ({
      %run_scoped3A = tpu.sem_alloc : memref<!tpu.dma_semaphore, #tpu.memory_space<semaphore_mem>>
      %dma_start3A = arith.constant 0 : i32
      %dma_start3A_70 = tpu.memref_slice %arg3[%select_n3A, %dma_start3A] : memref<26x4096xi32, #tpu.memory_space<hbm>> -> memref<1x4096xi32, #tpu.memory_space<hbm>>
      %dma_start3A_71 = tpu.memref_squeeze %dma_start3A_70 : memref<1x4096xi32, #tpu.memory_space<hbm>> -> memref<4096xi32, #tpu.memory_space<hbm>>
      %dma_start3A_72 = arith.constant 0 : i32
      %dma_start3A_73 = tpu.memref_slice %arg3[%select_n3A, %dma_start3A_72] : memref<26x4096xi32, #tpu.memory_space<hbm>> -> memref<1x4096xi32, #tpu.memory_space<hbm>>
      %dma_start3A_74 = tpu.memref_squeeze %dma_start3A_73 : memref<1x4096xi32, #tpu.memory_space<hbm>> -> memref<4096xi32, #tpu.memory_space<hbm>>
      tpu.enqueue_dma source(%dma_start3A_74 : memref<4096xi32, #tpu.memory_space<hbm>>) target(%arg6 : memref<4096xi32, #tpu.memory_space<vmem>>) target_semaphore(%run_scoped3A : memref<!tpu.dma_semaphore, #tpu.memory_space<semaphore_mem>>)
      %dma_wait3A_75 = arith.constant 0 : i32
      %dma_wait3A_76 = tpu.memref_slice %arg3[%select_n3A, %dma_wait3A_75] : memref<26x4096xi32, #tpu.memory_space<hbm>> -> memref<1x4096xi32, #tpu.memory_space<hbm>>
      %dma_wait3A_77 = tpu.memref_squeeze %dma_wait3A_76 : memref<1x4096xi32, #tpu.memory_space<hbm>> -> memref<4096xi32, #tpu.memory_space<hbm>>
      %dma_wait3A_78 = arith.constant 0 : i32
      %dma_wait3A_79 = tpu.memref_slice %arg3[%select_n3A, %dma_wait3A_78] : memref<26x4096xi32, #tpu.memory_space<hbm>> -> memref<1x4096xi32, #tpu.memory_space<hbm>>
      %dma_wait3A_80 = tpu.memref_squeeze %dma_wait3A_79 : memref<1x4096xi32, #tpu.memory_space<hbm>> -> memref<4096xi32, #tpu.memory_space<hbm>>
      tpu.wait_dma2 semaphore(%run_scoped3A : memref<!tpu.dma_semaphore, #tpu.memory_space<semaphore_mem>>) src(%dma_wait3A_80 : memref<4096xi32, #tpu.memory_space<hbm>>) dst(%arg6 : memref<4096xi32, #tpu.memory_space<vmem>>)
      tpu.yield
    }) : () -> ()
    %jit3A_19 = arith.constant 32 : i32
    %div3A_20 = arith.divsi %mul3A_2, %jit3A_19 : i32
    %sign3A_21 = arith.constant 0 : i32
    %sign3A_22 = arith.cmpi sgt, %mul3A_2, %sign3A_21 : i32
    %sign3A_23 = arith.extui %sign3A_22 : i1 to i32
    %sign3A_24 = arith.constant 0 : i32
    %sign3A_25 = arith.cmpi slt, %mul3A_2, %sign3A_24 : i32
    %sign3A_26 = arith.extui %sign3A_25 : i1 to i32
    %sign3A_27 = arith.subi %sign3A_23, %sign3A_26 : i32
    %sign3A_28 = arith.constant 0 : i32
    %sign3A_29 = arith.cmpi sgt, %jit3A_19, %sign3A_28 : i32
    %sign3A_30 = arith.extui %sign3A_29 : i1 to i32
    %sign3A_31 = arith.constant 0 : i32
    %sign3A_32 = arith.cmpi slt, %jit3A_19, %sign3A_31 : i32
    %sign3A_33 = arith.extui %sign3A_32 : i1 to i32
    %sign3A_34 = arith.subi %sign3A_30, %sign3A_33 : i32
    %ne3A_35 = arith.cmpi ne, %sign3A_27, %sign3A_34 : i32
    %rem3A_36 = arith.remsi %mul3A_2, %jit3A_19 : i32
    %ne3A_37 = arith.constant 0 : i32
    %ne3A_38 = arith.cmpi ne, %rem3A_36, %ne3A_37 : i32
    %and3A_39 = arith.andi %ne3A_35, %ne3A_38 : i1
    %sub3A_40 = arith.constant 1 : i32
    %sub3A_41 = arith.subi %div3A_20, %sub3A_40 : i32
    %select_n3A_42 = arith.select %and3A_39, %sub3A_41, %div3A_20 : i32
    %scan3A = arith.constant 0 : i32
    %scan3A_43 = arith.constant 13 : i32
    %scan3A_44 = arith.addi %scan3A, %scan3A_43 : i32
    %scan3A_45 = arith.constant 1 : i32
    %scan3A_46 = scf.for %scan3A_70 = %scan3A to %scan3A_44 step %scan3A_45 iter_args(%scan3A_71 = %select_n3A_42) -> (i32)  : i32 {
      %mul3A_72 = arith.constant 2 : i32
      %mul3A_73 = arith.muli %scan3A_70, %mul3A_72 : i32
      %add3A_74 = arith.addi %mul3A_2, %mul3A_73 : i32
      %jit3A_75 = arith.constant 32 : i32
      %div3A_76 = arith.divsi %add3A_74, %jit3A_75 : i32
      %sign3A_77 = arith.constant 0 : i32
      %sign3A_78 = arith.cmpi sgt, %add3A_74, %sign3A_77 : i32
      %sign3A_79 = arith.extui %sign3A_78 : i1 to i32
      %sign3A_80 = arith.constant 0 : i32
      %sign3A_81 = arith.cmpi slt, %add3A_74, %sign3A_80 : i32
      %sign3A_82 = arith.extui %sign3A_81 : i1 to i32
      %sign3A_83 = arith.subi %sign3A_79, %sign3A_82 : i32
      %sign3A_84 = arith.constant 0 : i32
      %sign3A_85 = arith.cmpi sgt, %jit3A_75, %sign3A_84 : i32
      %sign3A_86 = arith.extui %sign3A_85 : i1 to i32
      %sign3A_87 = arith.constant 0 : i32
      %sign3A_88 = arith.cmpi slt, %jit3A_75, %sign3A_87 : i32
      %sign3A_89 = arith.extui %sign3A_88 : i1 to i32
      %sign3A_90 = arith.subi %sign3A_86, %sign3A_89 : i32
      %ne3A_91 = arith.cmpi ne, %sign3A_83, %sign3A_90 : i32
      %rem3A_92 = arith.remsi %add3A_74, %jit3A_75 : i32
      %ne3A_93 = arith.constant 0 : i32
      %ne3A_94 = arith.cmpi ne, %rem3A_92, %ne3A_93 : i32
      %and3A_95 = arith.andi %ne3A_91, %ne3A_94 : i1
      %sub3A_96 = arith.constant 1 : i32
      %sub3A_97 = arith.subi %div3A_76, %sub3A_96 : i32
      %select_n3A_98 = arith.select %and3A_95, %sub3A_97, %div3A_76 : i32
      %jit3A_99 = arith.constant 32 : i32
      %eq3A = arith.constant 0 : i32
      %eq3A_100 = arith.cmpi eq, %jit3A_99, %eq3A : i32
      %jit3A_101 = arith.constant 1 : i32
      %select_n3A_102 = arith.select %eq3A_100, %jit3A_101, %jit3A_99 : i32
      %rem3A_103 = arith.remsi %add3A_74, %select_n3A_102 : i32
      %ne3A_104 = arith.constant 0 : i32
      %ne3A_105 = arith.cmpi ne, %rem3A_103, %ne3A_104 : i32
      %lt3A = arith.constant 0 : i32
      %lt3A_106 = arith.cmpi slt, %rem3A_103, %lt3A : i32
      %lt3A_107 = arith.constant 0 : i32
      %lt3A_108 = arith.cmpi slt, %select_n3A_102, %lt3A_107 : i32
      %ne3A_109 = arith.xori %lt3A_106, %lt3A_108 : i1
      %and3A_110 = arith.andi %ne3A_109, %ne3A_105 : i1
      %add3A_111 = arith.addi %rem3A_103, %select_n3A_102 : i32
      %select_n3A_112 = arith.select %and3A_110, %add3A_111, %rem3A_103 : i32
      %ne3A_113 = arith.cmpi ne, %select_n3A_98, %scan3A_71 : i32
      %convert_element_type3A = arith.extui %ne3A_113 : i1 to i32
      %cond3A = arith.constant 0 : i32
      %cond3A_114 = arith.cmpi ne, %convert_element_type3A, %cond3A : i32
      scf.if %cond3A_114 {
        "tpu.region"() ({
          %run_scoped3A = tpu.sem_alloc : memref<!tpu.dma_semaphore, #tpu.memory_space<semaphore_mem>>
          %dma_start3A_241 = arith.constant 0 : i32
          %dma_start3A_242 = tpu.memref_slice %arg3[%select_n3A_98, %dma_start3A_241] : memref<26x4096xi32, #tpu.memory_space<hbm>> -> memref<1x4096xi32, #tpu.memory_space<hbm>>
          %dma_start3A_243 = tpu.memref_squeeze %dma_start3A_242 : memref<1x4096xi32, #tpu.memory_space<hbm>> -> memref<4096xi32, #tpu.memory_space<hbm>>
          %dma_start3A_244 = arith.constant 0 : i32
          %dma_start3A_245 = tpu.memref_slice %arg3[%select_n3A_98, %dma_start3A_244] : memref<26x4096xi32, #tpu.memory_space<hbm>> -> memref<1x4096xi32, #tpu.memory_space<hbm>>
          %dma_start3A_246 = tpu.memref_squeeze %dma_start3A_245 : memref<1x4096xi32, #tpu.memory_space<hbm>> -> memref<4096xi32, #tpu.memory_space<hbm>>
          tpu.enqueue_dma source(%dma_start3A_246 : memref<4096xi32, #tpu.memory_space<hbm>>) target(%arg6 : memref<4096xi32, #tpu.memory_space<vmem>>) target_semaphore(%run_scoped3A : memref<!tpu.dma_semaphore, #tpu.memory_space<semaphore_mem>>)
          %dma_wait3A_247 = arith.constant 0 : i32
          %dma_wait3A_248 = tpu.memref_slice %arg3[%select_n3A_98, %dma_wait3A_247] : memref<26x4096xi32, #tpu.memory_space<hbm>> -> memref<1x4096xi32, #tpu.memory_space<hbm>>
          %dma_wait3A_249 = tpu.memref_squeeze %dma_wait3A_248 : memref<1x4096xi32, #tpu.memory_space<hbm>> -> memref<4096xi32, #tpu.memory_space<hbm>>
          %dma_wait3A_250 = arith.constant 0 : i32
          %dma_wait3A_251 = tpu.memref_slice %arg3[%select_n3A_98, %dma_wait3A_250] : memref<26x4096xi32, #tpu.memory_space<hbm>> -> memref<1x4096xi32, #tpu.memory_space<hbm>>
          %dma_wait3A_252 = tpu.memref_squeeze %dma_wait3A_251 : memref<1x4096xi32, #tpu.memory_space<hbm>> -> memref<4096xi32, #tpu.memory_space<hbm>>
          tpu.wait_dma2 semaphore(%run_scoped3A : memref<!tpu.dma_semaphore, #tpu.memory_space<semaphore_mem>>) src(%dma_wait3A_252 : memref<4096xi32, #tpu.memory_space<hbm>>) dst(%arg6 : memref<4096xi32, #tpu.memory_space<vmem>>)
          tpu.yield
        }) : () -> ()
      } else {
      }
      "tpu.region"() ({
        %run_scoped3A = tpu.sem_alloc : memref<!tpu.dma_semaphore, #tpu.memory_space<semaphore_mem>>
        %dma_start3A_241 = arith.constant 0 : i32
        %dma_start3A_242 = arith.constant 0 : i32
        %dma_start3A_243 = tpu.memref_slice %arg2[%select_n3A_98, %dma_start3A_241, %dma_start3A_242] : memref<26x32x100000xf32, #tpu.memory_space<hbm>> -> memref<1x32x100000xf32, #tpu.memory_space<hbm>>
        %dma_start3A_244 = tpu.memref_squeeze %dma_start3A_243 : memref<1x32x100000xf32, #tpu.memory_space<hbm>> -> memref<32x100000xf32, #tpu.memory_space<hbm>>
        %dma_start3A_245 = arith.constant 0 : i32
        %dma_start3A_246 = tpu.memref_slice %dma_start3A_244[%select_n3A_112, %dma_start3A_245] : memref<32x100000xf32, #tpu.memory_space<hbm>> -> memref<1x100000xf32, #tpu.memory_space<hbm>>
        %dma_start3A_247 = tpu.memref_squeeze %dma_start3A_246 : memref<1x100000xf32, #tpu.memory_space<hbm>> -> memref<100000xf32, #tpu.memory_space<hbm>>
        %dma_start3A_248 = arith.constant 0 : i32
        %dma_start3A_249 = arith.constant 0 : i32
        %dma_start3A_250 = tpu.memref_slice %arg2[%select_n3A_98, %dma_start3A_248, %dma_start3A_249] : memref<26x32x100000xf32, #tpu.memory_space<hbm>> -> memref<1x32x100000xf32, #tpu.memory_space<hbm>>
        %dma_start3A_251 = tpu.memref_squeeze %dma_start3A_250 : memref<1x32x100000xf32, #tpu.memory_space<hbm>> -> memref<32x100000xf32, #tpu.memory_space<hbm>>
        %dma_start3A_252 = arith.constant 0 : i32
        %dma_start3A_253 = tpu.memref_slice %dma_start3A_251[%select_n3A_112, %dma_start3A_252] : memref<32x100000xf32, #tpu.memory_space<hbm>> -> memref<1x100000xf32, #tpu.memory_space<hbm>>
        %dma_start3A_254 = tpu.memref_squeeze %dma_start3A_253 : memref<1x100000xf32, #tpu.memory_space<hbm>> -> memref<100000xf32, #tpu.memory_space<hbm>>
        tpu.enqueue_dma source(%dma_start3A_254 : memref<100000xf32, #tpu.memory_space<hbm>>) target(%arg5 : memref<100000xf32, #tpu.memory_space<vmem>>) target_semaphore(%run_scoped3A : memref<!tpu.dma_semaphore, #tpu.memory_space<semaphore_mem>>)
        %dma_wait3A_255 = arith.constant 0 : i32
        %dma_wait3A_256 = arith.constant 0 : i32
        %dma_wait3A_257 = tpu.memref_slice %arg2[%select_n3A_98, %dma_wait3A_255, %dma_wait3A_256] : memref<26x32x100000xf32, #tpu.memory_space<hbm>> -> memref<1x32x100000xf32, #tpu.memory_space<hbm>>
        %dma_wait3A_258 = tpu.memref_squeeze %dma_wait3A_257 : memref<1x32x100000xf32, #tpu.memory_space<hbm>> -> memref<32x100000xf32, #tpu.memory_space<hbm>>
        %dma_wait3A_259 = arith.constant 0 : i32
        %dma_wait3A_260 = tpu.memref_slice %dma_wait3A_258[%select_n3A_112, %dma_wait3A_259] : memref<32x100000xf32, #tpu.memory_space<hbm>> -> memref<1x100000xf32, #tpu.memory_space<hbm>>
        %dma_wait3A_261 = tpu.memref_squeeze %dma_wait3A_260 : memref<1x100000xf32, #tpu.memory_space<hbm>> -> memref<100000xf32, #tpu.memory_space<hbm>>
        %dma_wait3A_262 = arith.constant 0 : i32
        %dma_wait3A_263 = arith.constant 0 : i32
        %dma_wait3A_264 = tpu.memref_slice %arg2[%select_n3A_98, %dma_wait3A_262, %dma_wait3A_263] : memref<26x32x100000xf32, #tpu.memory_space<hbm>> -> memref<1x32x100000xf32, #tpu.memory_space<hbm>>
        %dma_wait3A_265 = tpu.memref_squeeze %dma_wait3A_264 : memref<1x32x100000xf32, #tpu.memory_space<hbm>> -> memref<32x100000xf32, #tpu.memory_space<hbm>>
        %dma_wait3A_266 = arith.constant 0 : i32
        %dma_wait3A_267 = tpu.memref_slice %dma_wait3A_265[%select_n3A_112, %dma_wait3A_266] : memref<32x100000xf32, #tpu.memory_space<hbm>> -> memref<1x100000xf32, #tpu.memory_space<hbm>>
        %dma_wait3A_268 = tpu.memref_squeeze %dma_wait3A_267 : memref<1x100000xf32, #tpu.memory_space<hbm>> -> memref<100000xf32, #tpu.memory_space<hbm>>
        tpu.wait_dma2 semaphore(%run_scoped3A : memref<!tpu.dma_semaphore, #tpu.memory_space<semaphore_mem>>) src(%dma_wait3A_268 : memref<100000xf32, #tpu.memory_space<hbm>>) dst(%arg5 : memref<100000xf32, #tpu.memory_space<vmem>>)
        tpu.yield
      }) : () -> ()
      %scan3A_115 = arith.constant 0 : i32
      %scan3A_116 = arith.constant 0 : i32
      %scan3A_117 = arith.constant 256 : i32
      %scan3A_118 = arith.addi %scan3A_116, %scan3A_117 : i32
      %scan3A_119 = arith.constant 1 : i32
      scf.for %scan3A_241 = %scan3A_116 to %scan3A_118 step %scan3A_119  : i32 {
        %mul3A_242 = arith.constant 16 : i32
        %mul3A_243 = arith.muli %scan3A_241, %mul3A_242 : i32
        %get3A = arith.index_cast %mul3A_243 : i32 to index
        %get3A_244 = tpu.vector_load %arg6[%get3A] {strides = array<i32>} : memref<4096xi32, #tpu.memory_space<vmem>>, vector<16xi32>,
        %gather3A = tpu.vector_load_idx %arg5[%get3A_244] : memref<100000xf32, #tpu.memory_space<vmem>>[vector<16xi32>], vector<16xf32>,
        %swap3A = arith.constant 0 : i32
        %swap3A_245 = arith.index_cast %swap3A : i32 to index
        %swap3A_246 = arith.index_cast %mul3A_243 : i32 to index
        %swap3A_247 = tpu.vector_load %arg7[%swap3A_245, %swap3A_246] {strides = array<i32>} : memref<2x4096xf32, #tpu.memory_space<vmem>>, vector<16xf32>,
        tpu.vector_store %arg7[%swap3A_245, %swap3A_246], %gather3A {strides = array<i32>} : memref<2x4096xf32, #tpu.memory_space<vmem>>, vector<16xf32>,
      }
      %scan3A_120 = arith.constant 256 : i32
      %dma_start3A = arith.constant 0 : i32
      %dma_start3A_121 = arith.constant 0 : i32
      %dma_start3A_122 = tpu.memref_slice %arg7[%dma_start3A, %dma_start3A_121] : memref<2x4096xf32, #tpu.memory_space<vmem>> -> memref<1x4096xf32, #tpu.memory_space<vmem>>
      %dma_start3A_123 = tpu.memref_squeeze %dma_start3A_122 : memref<1x4096xf32, #tpu.memory_space<vmem>> -> memref<4096xf32, #tpu.memory_space<vmem>>
      %dma_start3A_124 = arith.constant 0 : i32
      %dma_start3A_125 = arith.constant 0 : i32
      %dma_start3A_126 = tpu.memref_slice %arg4[%select_n3A_98, %dma_start3A_124, %dma_start3A_125] : memref<26x32x4096xf32, #tpu.memory_space<hbm>> -> memref<1x32x4096xf32, #tpu.memory_space<hbm>>
      %dma_start3A_127 = tpu.memref_squeeze %dma_start3A_126 : memref<1x32x4096xf32, #tpu.memory_space<hbm>> -> memref<32x4096xf32, #tpu.memory_space<hbm>>
      %dma_start3A_128 = arith.constant 0 : i32
      %dma_start3A_129 = tpu.memref_slice %dma_start3A_127[%select_n3A_112, %dma_start3A_128] : memref<32x4096xf32, #tpu.memory_space<hbm>> -> memref<1x4096xf32, #tpu.memory_space<hbm>>
      %dma_start3A_130 = tpu.memref_squeeze %dma_start3A_129 : memref<1x4096xf32, #tpu.memory_space<hbm>> -> memref<4096xf32, #tpu.memory_space<hbm>>
      %dma_start3A_131 = arith.constant 0 : i32
      %dma_start3A_132 = arith.constant 0 : i32
      %dma_start3A_133 = tpu.memref_slice %arg4[%select_n3A_98, %dma_start3A_131, %dma_start3A_132] : memref<26x32x4096xf32, #tpu.memory_space<hbm>> -> memref<1x32x4096xf32, #tpu.memory_space<hbm>>
      %dma_start3A_134 = tpu.memref_squeeze %dma_start3A_133 : memref<1x32x4096xf32, #tpu.memory_space<hbm>> -> memref<32x4096xf32, #tpu.memory_space<hbm>>
      %dma_start3A_135 = arith.constant 0 : i32
      %dma_start3A_136 = tpu.memref_slice %dma_start3A_134[%select_n3A_112, %dma_start3A_135] : memref<32x4096xf32, #tpu.memory_space<hbm>> -> memref<1x4096xf32, #tpu.memory_space<hbm>>
      %dma_start3A_137 = tpu.memref_squeeze %dma_start3A_136 : memref<1x4096xf32, #tpu.memory_space<hbm>> -> memref<4096xf32, #tpu.memory_space<hbm>>
      %dma_start3A_138 = arith.constant 0 : i32
      %dma_start3A_139 = tpu.memref_slice %arg7[%dma_start3A, %dma_start3A_138] : memref<2x4096xf32, #tpu.memory_space<vmem>> -> memref<1x4096xf32, #tpu.memory_space<vmem>>
      %dma_start3A_140 = tpu.memref_squeeze %dma_start3A_139 : memref<1x4096xf32, #tpu.memory_space<vmem>> -> memref<4096xf32, #tpu.memory_space<vmem>>
      tpu.enqueue_dma source(%dma_start3A_140 : memref<4096xf32, #tpu.memory_space<vmem>>) target(%dma_start3A_137 : memref<4096xf32, #tpu.memory_space<hbm>>) target_semaphore(%arg8 : memref<!tpu.dma_semaphore, #tpu.memory_space<semaphore_mem>>)
      %gt3A = arith.constant 0 : i32
      %gt3A_141 = arith.cmpi sgt, %scan3A_70, %gt3A : i32
      %convert_element_type3A_142 = arith.extui %gt3A_141 : i1 to i32
      %cond3A_143 = arith.constant 0 : i32
      %cond3A_144 = arith.cmpi ne, %convert_element_type3A_142, %cond3A_143 : i32
      scf.if %cond3A_144 {
        %dma_wait3A_241 = arith.constant 1 : i32
        %dma_wait3A_242 = arith.constant 0 : i32
        %dma_wait3A_243 = arith.constant 0 : i32
        %dma_wait3A_244 = arith.constant 0 : i32
        %dma_wait3A_245 = tpu.memref_slice %arg7[%dma_wait3A_241, %dma_wait3A_244] : memref<2x4096xf32, #tpu.memory_space<vmem>> -> memref<1x4096xf32, #tpu.memory_space<vmem>>
        %dma_wait3A_246 = tpu.memref_squeeze %dma_wait3A_245 : memref<1x4096xf32, #tpu.memory_space<vmem>> -> memref<4096xf32, #tpu.memory_space<vmem>>
        %dma_wait3A_247 = arith.constant 0 : i32
        %dma_wait3A_248 = arith.constant 0 : i32
        %dma_wait3A_249 = tpu.memref_slice %arg4[%dma_wait3A_242, %dma_wait3A_247, %dma_wait3A_248] : memref<26x32x4096xf32, #tpu.memory_space<hbm>> -> memref<1x32x4096xf32, #tpu.memory_space<hbm>>
        %dma_wait3A_250 = tpu.memref_squeeze %dma_wait3A_249 : memref<1x32x4096xf32, #tpu.memory_space<hbm>> -> memref<32x4096xf32, #tpu.memory_space<hbm>>
        %dma_wait3A_251 = arith.constant 0 : i32
        %dma_wait3A_252 = tpu.memref_slice %dma_wait3A_250[%dma_wait3A_243, %dma_wait3A_251] : memref<32x4096xf32, #tpu.memory_space<hbm>> -> memref<1x4096xf32, #tpu.memory_space<hbm>>
        %dma_wait3A_253 = tpu.memref_squeeze %dma_wait3A_252 : memref<1x4096xf32, #tpu.memory_space<hbm>> -> memref<4096xf32, #tpu.memory_space<hbm>>
        %dma_wait3A_254 = arith.constant 0 : i32
        %dma_wait3A_255 = arith.constant 0 : i32
        %dma_wait3A_256 = tpu.memref_slice %arg4[%dma_wait3A_242, %dma_wait3A_254, %dma_wait3A_255] : memref<26x32x4096xf32, #tpu.memory_space<hbm>> -> memref<1x32x4096xf32, #tpu.memory_space<hbm>>
        %dma_wait3A_257 = tpu.memref_squeeze %dma_wait3A_256 : memref<1x32x4096xf32, #tpu.memory_space<hbm>> -> memref<32x4096xf32, #tpu.memory_space<hbm>>
        %dma_wait3A_258 = arith.constant 0 : i32
        %dma_wait3A_259 = tpu.memref_slice %dma_wait3A_257[%dma_wait3A_243, %dma_wait3A_258] : memref<32x4096xf32, #tpu.memory_space<hbm>> -> memref<1x4096xf32, #tpu.memory_space<hbm>>
        %dma_wait3A_260 = tpu.memref_squeeze %dma_wait3A_259 : memref<1x4096xf32, #tpu.memory_space<hbm>> -> memref<4096xf32, #tpu.memory_space<hbm>>
        %dma_wait3A_261 = arith.constant 0 : i32
        %dma_wait3A_262 = tpu.memref_slice %arg7[%dma_wait3A_241, %dma_wait3A_261] : memref<2x4096xf32, #tpu.memory_space<vmem>> -> memref<1x4096xf32, #tpu.memory_space<vmem>>
        %dma_wait3A_263 = tpu.memref_squeeze %dma_wait3A_262 : memref<1x4096xf32, #tpu.memory_space<vmem>> -> memref<4096xf32, #tpu.memory_space<vmem>>
        tpu.wait_dma2 semaphore(%arg9 : memref<!tpu.dma_semaphore, #tpu.memory_space<semaphore_mem>>) src(%dma_wait3A_263 : memref<4096xf32, #tpu.memory_space<vmem>>) dst(%dma_wait3A_260 : memref<4096xf32, #tpu.memory_space<hbm>>)
      } else {
      }
      %add3A_145 = arith.constant 1 : i32
      %add3A_146 = arith.addi %add3A_74, %add3A_145 : i32
      %jit3A_147 = arith.constant 32 : i32
      %div3A_148 = arith.divsi %add3A_146, %jit3A_147 : i32
      %sign3A_149 = arith.constant 0 : i32
      %sign3A_150 = arith.cmpi sgt, %add3A_146, %sign3A_149 : i32
      %sign3A_151 = arith.extui %sign3A_150 : i1 to i32
      %sign3A_152 = arith.constant 0 : i32
      %sign3A_153 = arith.cmpi slt, %add3A_146, %sign3A_152 : i32
      %sign3A_154 = arith.extui %sign3A_153 : i1 to i32
      %sign3A_155 = arith.subi %sign3A_151, %sign3A_154 : i32
      %sign3A_156 = arith.constant 0 : i32
      %sign3A_157 = arith.cmpi sgt, %jit3A_147, %sign3A_156 : i32
      %sign3A_158 = arith.extui %sign3A_157 : i1 to i32
      %sign3A_159 = arith.constant 0 : i32
      %sign3A_160 = arith.cmpi slt, %jit3A_147, %sign3A_159 : i32
      %sign3A_161 = arith.extui %sign3A_160 : i1 to i32
      %sign3A_162 = arith.subi %sign3A_158, %sign3A_161 : i32
      %ne3A_163 = arith.cmpi ne, %sign3A_155, %sign3A_162 : i32
      %rem3A_164 = arith.remsi %add3A_146, %jit3A_147 : i32
      %ne3A_165 = arith.constant 0 : i32
      %ne3A_166 = arith.cmpi ne, %rem3A_164, %ne3A_165 : i32
      %and3A_167 = arith.andi %ne3A_163, %ne3A_166 : i1
      %sub3A_168 = arith.constant 1 : i32
      %sub3A_169 = arith.subi %div3A_148, %sub3A_168 : i32
      %select_n3A_170 = arith.select %and3A_167, %sub3A_169, %div3A_148 : i32
      %jit3A_171 = arith.constant 32 : i32
      %eq3A_172 = arith.constant 0 : i32
      %eq3A_173 = arith.cmpi eq, %jit3A_171, %eq3A_172 : i32
      %jit3A_174 = arith.constant 1 : i32
      %select_n3A_175 = arith.select %eq3A_173, %jit3A_174, %jit3A_171 : i32
      %rem3A_176 = arith.remsi %add3A_146, %select_n3A_175 : i32
      %ne3A_177 = arith.constant 0 : i32
      %ne3A_178 = arith.cmpi ne, %rem3A_176, %ne3A_177 : i32
      %lt3A_179 = arith.constant 0 : i32
      %lt3A_180 = arith.cmpi slt, %rem3A_176, %lt3A_179 : i32
      %lt3A_181 = arith.constant 0 : i32
      %lt3A_182 = arith.cmpi slt, %select_n3A_175, %lt3A_181 : i32
      %ne3A_183 = arith.xori %lt3A_180, %lt3A_182 : i1
      %and3A_184 = arith.andi %ne3A_183, %ne3A_178 : i1
      %add3A_185 = arith.addi %rem3A_176, %select_n3A_175 : i32
      %select_n3A_186 = arith.select %and3A_184, %add3A_185, %rem3A_176 : i32
      %ne3A_187 = arith.cmpi ne, %select_n3A_170, %select_n3A_98 : i32
      %convert_element_type3A_188 = arith.extui %ne3A_187 : i1 to i32
      %cond3A_189 = arith.constant 0 : i32
      %cond3A_190 = arith.cmpi ne, %convert_element_type3A_188, %cond3A_189 : i32
      scf.if %cond3A_190 {
        "tpu.region"() ({
          %run_scoped3A = tpu.sem_alloc : memref<!tpu.dma_semaphore, #tpu.memory_space<semaphore_mem>>
          %dma_start3A_241 = arith.constant 0 : i32
          %dma_start3A_242 = tpu.memref_slice %arg3[%select_n3A_170, %dma_start3A_241] : memref<26x4096xi32, #tpu.memory_space<hbm>> -> memref<1x4096xi32, #tpu.memory_space<hbm>>
          %dma_start3A_243 = tpu.memref_squeeze %dma_start3A_242 : memref<1x4096xi32, #tpu.memory_space<hbm>> -> memref<4096xi32, #tpu.memory_space<hbm>>
          %dma_start3A_244 = arith.constant 0 : i32
          %dma_start3A_245 = tpu.memref_slice %arg3[%select_n3A_170, %dma_start3A_244] : memref<26x4096xi32, #tpu.memory_space<hbm>> -> memref<1x4096xi32, #tpu.memory_space<hbm>>
          %dma_start3A_246 = tpu.memref_squeeze %dma_start3A_245 : memref<1x4096xi32, #tpu.memory_space<hbm>> -> memref<4096xi32, #tpu.memory_space<hbm>>
          tpu.enqueue_dma source(%dma_start3A_246 : memref<4096xi32, #tpu.memory_space<hbm>>) target(%arg6 : memref<4096xi32, #tpu.memory_space<vmem>>) target_semaphore(%run_scoped3A : memref<!tpu.dma_semaphore, #tpu.memory_space<semaphore_mem>>)
          %dma_wait3A_247 = arith.constant 0 : i32
          %dma_wait3A_248 = tpu.memref_slice %arg3[%select_n3A_170, %dma_wait3A_247] : memref<26x4096xi32, #tpu.memory_space<hbm>> -> memref<1x4096xi32, #tpu.memory_space<hbm>>
          %dma_wait3A_249 = tpu.memref_squeeze %dma_wait3A_248 : memref<1x4096xi32, #tpu.memory_space<hbm>> -> memref<4096xi32, #tpu.memory_space<hbm>>
          %dma_wait3A_250 = arith.constant 0 : i32
          %dma_wait3A_251 = tpu.memref_slice %arg3[%select_n3A_170, %dma_wait3A_250] : memref<26x4096xi32, #tpu.memory_space<hbm>> -> memref<1x4096xi32, #tpu.memory_space<hbm>>
          %dma_wait3A_252 = tpu.memref_squeeze %dma_wait3A_251 : memref<1x4096xi32, #tpu.memory_space<hbm>> -> memref<4096xi32, #tpu.memory_space<hbm>>
          tpu.wait_dma2 semaphore(%run_scoped3A : memref<!tpu.dma_semaphore, #tpu.memory_space<semaphore_mem>>) src(%dma_wait3A_252 : memref<4096xi32, #tpu.memory_space<hbm>>) dst(%arg6 : memref<4096xi32, #tpu.memory_space<vmem>>)
          tpu.yield
        }) : () -> ()
      } else {
      }
      "tpu.region"() ({
        %run_scoped3A = tpu.sem_alloc : memref<!tpu.dma_semaphore, #tpu.memory_space<semaphore_mem>>
        %dma_start3A_241 = arith.constant 0 : i32
        %dma_start3A_242 = arith.constant 0 : i32
        %dma_start3A_243 = tpu.memref_slice %arg2[%select_n3A_170, %dma_start3A_241, %dma_start3A_242] : memref<26x32x100000xf32, #tpu.memory_space<hbm>> -> memref<1x32x100000xf32, #tpu.memory_space<hbm>>
        %dma_start3A_244 = tpu.memref_squeeze %dma_start3A_243 : memref<1x32x100000xf32, #tpu.memory_space<hbm>> -> memref<32x100000xf32, #tpu.memory_space<hbm>>
        %dma_start3A_245 = arith.constant 0 : i32
        %dma_start3A_246 = tpu.memref_slice %dma_start3A_244[%select_n3A_186, %dma_start3A_245] : memref<32x100000xf32, #tpu.memory_space<hbm>> -> memref<1x100000xf32, #tpu.memory_space<hbm>>
        %dma_start3A_247 = tpu.memref_squeeze %dma_start3A_246 : memref<1x100000xf32, #tpu.memory_space<hbm>> -> memref<100000xf32, #tpu.memory_space<hbm>>
        %dma_start3A_248 = arith.constant 0 : i32
        %dma_start3A_249 = arith.constant 0 : i32
        %dma_start3A_250 = tpu.memref_slice %arg2[%select_n3A_170, %dma_start3A_248, %dma_start3A_249] : memref<26x32x100000xf32, #tpu.memory_space<hbm>> -> memref<1x32x100000xf32, #tpu.memory_space<hbm>>
        %dma_start3A_251 = tpu.memref_squeeze %dma_start3A_250 : memref<1x32x100000xf32, #tpu.memory_space<hbm>> -> memref<32x100000xf32, #tpu.memory_space<hbm>>
        %dma_start3A_252 = arith.constant 0 : i32
        %dma_start3A_253 = tpu.memref_slice %dma_start3A_251[%select_n3A_186, %dma_start3A_252] : memref<32x100000xf32, #tpu.memory_space<hbm>> -> memref<1x100000xf32, #tpu.memory_space<hbm>>
        %dma_start3A_254 = tpu.memref_squeeze %dma_start3A_253 : memref<1x100000xf32, #tpu.memory_space<hbm>> -> memref<100000xf32, #tpu.memory_space<hbm>>
        tpu.enqueue_dma source(%dma_start3A_254 : memref<100000xf32, #tpu.memory_space<hbm>>) target(%arg5 : memref<100000xf32, #tpu.memory_space<vmem>>) target_semaphore(%run_scoped3A : memref<!tpu.dma_semaphore, #tpu.memory_space<semaphore_mem>>)
        %dma_wait3A_255 = arith.constant 0 : i32
        %dma_wait3A_256 = arith.constant 0 : i32
        %dma_wait3A_257 = tpu.memref_slice %arg2[%select_n3A_170, %dma_wait3A_255, %dma_wait3A_256] : memref<26x32x100000xf32, #tpu.memory_space<hbm>> -> memref<1x32x100000xf32, #tpu.memory_space<hbm>>
        %dma_wait3A_258 = tpu.memref_squeeze %dma_wait3A_257 : memref<1x32x100000xf32, #tpu.memory_space<hbm>> -> memref<32x100000xf32, #tpu.memory_space<hbm>>
        %dma_wait3A_259 = arith.constant 0 : i32
        %dma_wait3A_260 = tpu.memref_slice %dma_wait3A_258[%select_n3A_186, %dma_wait3A_259] : memref<32x100000xf32, #tpu.memory_space<hbm>> -> memref<1x100000xf32, #tpu.memory_space<hbm>>
        %dma_wait3A_261 = tpu.memref_squeeze %dma_wait3A_260 : memref<1x100000xf32, #tpu.memory_space<hbm>> -> memref<100000xf32, #tpu.memory_space<hbm>>
        %dma_wait3A_262 = arith.constant 0 : i32
        %dma_wait3A_263 = arith.constant 0 : i32
        %dma_wait3A_264 = tpu.memref_slice %arg2[%select_n3A_170, %dma_wait3A_262, %dma_wait3A_263] : memref<26x32x100000xf32, #tpu.memory_space<hbm>> -> memref<1x32x100000xf32, #tpu.memory_space<hbm>>
        %dma_wait3A_265 = tpu.memref_squeeze %dma_wait3A_264 : memref<1x32x100000xf32, #tpu.memory_space<hbm>> -> memref<32x100000xf32, #tpu.memory_space<hbm>>
        %dma_wait3A_266 = arith.constant 0 : i32
        %dma_wait3A_267 = tpu.memref_slice %dma_wait3A_265[%select_n3A_186, %dma_wait3A_266] : memref<32x100000xf32, #tpu.memory_space<hbm>> -> memref<1x100000xf32, #tpu.memory_space<hbm>>
        %dma_wait3A_268 = tpu.memref_squeeze %dma_wait3A_267 : memref<1x100000xf32, #tpu.memory_space<hbm>> -> memref<100000xf32, #tpu.memory_space<hbm>>
        tpu.wait_dma2 semaphore(%run_scoped3A : memref<!tpu.dma_semaphore, #tpu.memory_space<semaphore_mem>>) src(%dma_wait3A_268 : memref<100000xf32, #tpu.memory_space<hbm>>) dst(%arg5 : memref<100000xf32, #tpu.memory_space<vmem>>)
        tpu.yield
      }) : () -> ()
      %scan3A_191 = arith.constant 0 : i32
      %scan3A_192 = arith.constant 0 : i32
      %scan3A_193 = arith.constant 256 : i32
      %scan3A_194 = arith.addi %scan3A_192, %scan3A_193 : i32
      %scan3A_195 = arith.constant 1 : i32
      scf.for %scan3A_241 = %scan3A_192 to %scan3A_194 step %scan3A_195  : i32 {
        %mul3A_242 = arith.constant 16 : i32
        %mul3A_243 = arith.muli %scan3A_241, %mul3A_242 : i32
        %get3A = arith.index_cast %mul3A_243 : i32 to index
        %get3A_244 = tpu.vector_load %arg6[%get3A] {strides = array<i32>} : memref<4096xi32, #tpu.memory_space<vmem>>, vector<16xi32>,
        %gather3A = tpu.vector_load_idx %arg5[%get3A_244] : memref<100000xf32, #tpu.memory_space<vmem>>[vector<16xi32>], vector<16xf32>,
        %swap3A = arith.constant 1 : i32
        %swap3A_245 = arith.index_cast %swap3A : i32 to index
        %swap3A_246 = arith.index_cast %mul3A_243 : i32 to index
        %swap3A_247 = tpu.vector_load %arg7[%swap3A_245, %swap3A_246] {strides = array<i32>} : memref<2x4096xf32, #tpu.memory_space<vmem>>, vector<16xf32>,
        tpu.vector_store %arg7[%swap3A_245, %swap3A_246], %gather3A {strides = array<i32>} : memref<2x4096xf32, #tpu.memory_space<vmem>>, vector<16xf32>,
      }
      %scan3A_196 = arith.constant 256 : i32
      %dma_start3A_197 = arith.constant 1 : i32
      %dma_start3A_198 = arith.constant 0 : i32
      %dma_start3A_199 = tpu.memref_slice %arg7[%dma_start3A_197, %dma_start3A_198] : memref<2x4096xf32, #tpu.memory_space<vmem>> -> memref<1x4096xf32, #tpu.memory_space<vmem>>
      %dma_start3A_200 = tpu.memref_squeeze %dma_start3A_199 : memref<1x4096xf32, #tpu.memory_space<vmem>> -> memref<4096xf32, #tpu.memory_space<vmem>>
      %dma_start3A_201 = arith.constant 0 : i32
      %dma_start3A_202 = arith.constant 0 : i32
      %dma_start3A_203 = tpu.memref_slice %arg4[%select_n3A_170, %dma_start3A_201, %dma_start3A_202] : memref<26x32x4096xf32, #tpu.memory_space<hbm>> -> memref<1x32x4096xf32, #tpu.memory_space<hbm>>
      %dma_start3A_204 = tpu.memref_squeeze %dma_start3A_203 : memref<1x32x4096xf32, #tpu.memory_space<hbm>> -> memref<32x4096xf32, #tpu.memory_space<hbm>>
      %dma_start3A_205 = arith.constant 0 : i32
      %dma_start3A_206 = tpu.memref_slice %dma_start3A_204[%select_n3A_186, %dma_start3A_205] : memref<32x4096xf32, #tpu.memory_space<hbm>> -> memref<1x4096xf32, #tpu.memory_space<hbm>>
      %dma_start3A_207 = tpu.memref_squeeze %dma_start3A_206 : memref<1x4096xf32, #tpu.memory_space<hbm>> -> memref<4096xf32, #tpu.memory_space<hbm>>
      %dma_start3A_208 = arith.constant 0 : i32
      %dma_start3A_209 = arith.constant 0 : i32
      %dma_start3A_210 = tpu.memref_slice %arg4[%select_n3A_170, %dma_start3A_208, %dma_start3A_209] : memref<26x32x4096xf32, #tpu.memory_space<hbm>> -> memref<1x32x4096xf32, #tpu.memory_space<hbm>>
      %dma_start3A_211 = tpu.memref_squeeze %dma_start3A_210 : memref<1x32x4096xf32, #tpu.memory_space<hbm>> -> memref<32x4096xf32, #tpu.memory_space<hbm>>
      %dma_start3A_212 = arith.constant 0 : i32
      %dma_start3A_213 = tpu.memref_slice %dma_start3A_211[%select_n3A_186, %dma_start3A_212] : memref<32x4096xf32, #tpu.memory_space<hbm>> -> memref<1x4096xf32, #tpu.memory_space<hbm>>
      %dma_start3A_214 = tpu.memref_squeeze %dma_start3A_213 : memref<1x4096xf32, #tpu.memory_space<hbm>> -> memref<4096xf32, #tpu.memory_space<hbm>>
      %dma_start3A_215 = arith.constant 0 : i32
      %dma_start3A_216 = tpu.memref_slice %arg7[%dma_start3A_197, %dma_start3A_215] : memref<2x4096xf32, #tpu.memory_space<vmem>> -> memref<1x4096xf32, #tpu.memory_space<vmem>>
      %dma_start3A_217 = tpu.memref_squeeze %dma_start3A_216 : memref<1x4096xf32, #tpu.memory_space<vmem>> -> memref<4096xf32, #tpu.memory_space<vmem>>
      tpu.enqueue_dma source(%dma_start3A_217 : memref<4096xf32, #tpu.memory_space<vmem>>) target(%dma_start3A_214 : memref<4096xf32, #tpu.memory_space<hbm>>) target_semaphore(%arg9 : memref<!tpu.dma_semaphore, #tpu.memory_space<semaphore_mem>>)
      %dma_wait3A_218 = arith.constant 0 : i32
      %dma_wait3A_219 = arith.constant 0 : i32
      %dma_wait3A_220 = arith.constant 0 : i32
      %dma_wait3A_221 = arith.constant 0 : i32
      %dma_wait3A_222 = tpu.memref_slice %arg7[%dma_wait3A_218, %dma_wait3A_221] : memref<2x4096xf32, #tpu.memory_space<vmem>> -> memref<1x4096xf32, #tpu.memory_space<vmem>>
      %dma_wait3A_223 = tpu.memref_squeeze %dma_wait3A_222 : memref<1x4096xf32, #tpu.memory_space<vmem>> -> memref<4096xf32, #tpu.memory_space<vmem>>
      %dma_wait3A_224 = arith.constant 0 : i32
      %dma_wait3A_225 = arith.constant 0 : i32
      %dma_wait3A_226 = tpu.memref_slice %arg4[%dma_wait3A_219, %dma_wait3A_224, %dma_wait3A_225] : memref<26x32x4096xf32, #tpu.memory_space<hbm>> -> memref<1x32x4096xf32, #tpu.memory_space<hbm>>
      %dma_wait3A_227 = tpu.memref_squeeze %dma_wait3A_226 : memref<1x32x4096xf32, #tpu.memory_space<hbm>> -> memref<32x4096xf32, #tpu.memory_space<hbm>>
      %dma_wait3A_228 = arith.constant 0 : i32
      %dma_wait3A_229 = tpu.memref_slice %dma_wait3A_227[%dma_wait3A_220, %dma_wait3A_228] : memref<32x4096xf32, #tpu.memory_space<hbm>> -> memref<1x4096xf32, #tpu.memory_space<hbm>>
      %dma_wait3A_230 = tpu.memref_squeeze %dma_wait3A_229 : memref<1x4096xf32, #tpu.memory_space<hbm>> -> memref<4096xf32, #tpu.memory_space<hbm>>
      %dma_wait3A_231 = arith.constant 0 : i32
      %dma_wait3A_232 = arith.constant 0 : i32
      %dma_wait3A_233 = tpu.memref_slice %arg4[%dma_wait3A_219, %dma_wait3A_231, %dma_wait3A_232] : memref<26x32x4096xf32, #tpu.memory_space<hbm>> -> memref<1x32x4096xf32, #tpu.memory_space<hbm>>
      %dma_wait3A_234 = tpu.memref_squeeze %dma_wait3A_233 : memref<1x32x4096xf32, #tpu.memory_space<hbm>> -> memref<32x4096xf32, #tpu.memory_space<hbm>>
      %dma_wait3A_235 = arith.constant 0 : i32
      %dma_wait3A_236 = tpu.memref_slice %dma_wait3A_234[%dma_wait3A_220, %dma_wait3A_235] : memref<32x4096xf32, #tpu.memory_space<hbm>> -> memref<1x4096xf32, #tpu.memory_space<hbm>>
      %dma_wait3A_237 = tpu.memref_squeeze %dma_wait3A_236 : memref<1x4096xf32, #tpu.memory_space<hbm>> -> memref<4096xf32, #tpu.memory_space<hbm>>
      %dma_wait3A_238 = arith.constant 0 : i32
      %dma_wait3A_239 = tpu.memref_slice %arg7[%dma_wait3A_218, %dma_wait3A_238] : memref<2x4096xf32, #tpu.memory_space<vmem>> -> memref<1x4096xf32, #tpu.memory_space<vmem>>
      %dma_wait3A_240 = tpu.memref_squeeze %dma_wait3A_239 : memref<1x4096xf32, #tpu.memory_space<vmem>> -> memref<4096xf32, #tpu.memory_space<vmem>>
      tpu.wait_dma2 semaphore(%arg8 : memref<!tpu.dma_semaphore, #tpu.memory_space<semaphore_mem>>) src(%dma_wait3A_240 : memref<4096xf32, #tpu.memory_space<vmem>>) dst(%dma_wait3A_237 : memref<4096xf32, #tpu.memory_space<hbm>>)
      scf.yield %select_n3A_170 : i32
    }
    %scan3A_47 = arith.constant 13 : i32
    %dma_wait3A = arith.constant 1 : i32
    %dma_wait3A_48 = arith.constant 0 : i32
    %dma_wait3A_49 = arith.constant 0 : i32
    %dma_wait3A_50 = arith.constant 0 : i32
    %dma_wait3A_51 = tpu.memref_slice %arg7[%dma_wait3A, %dma_wait3A_50] : memref<2x4096xf32, #tpu.memory_space<vmem>> -> memref<1x4096xf32, #tpu.memory_space<vmem>>
    %dma_wait3A_52 = tpu.memref_squeeze %dma_wait3A_51 : memref<1x4096xf32, #tpu.memory_space<vmem>> -> memref<4096xf32, #tpu.memory_space<vmem>>
    %dma_wait3A_53 = arith.constant 0 : i32
    %dma_wait3A_54 = arith.constant 0 : i32
    %dma_wait3A_55 = tpu.memref_slice %arg4[%dma_wait3A_48, %dma_wait3A_53, %dma_wait3A_54] : memref<26x32x4096xf32, #tpu.memory_space<hbm>> -> memref<1x32x4096xf32, #tpu.memory_space<hbm>>
    %dma_wait3A_56 = tpu.memref_squeeze %dma_wait3A_55 : memref<1x32x4096xf32, #tpu.memory_space<hbm>> -> memref<32x4096xf32, #tpu.memory_space<hbm>>
    %dma_wait3A_57 = arith.constant 0 : i32
    %dma_wait3A_58 = tpu.memref_slice %dma_wait3A_56[%dma_wait3A_49, %dma_wait3A_57] : memref<32x4096xf32, #tpu.memory_space<hbm>> -> memref<1x4096xf32, #tpu.memory_space<hbm>>
    %dma_wait3A_59 = tpu.memref_squeeze %dma_wait3A_58 : memref<1x4096xf32, #tpu.memory_space<hbm>> -> memref<4096xf32, #tpu.memory_space<hbm>>
    %dma_wait3A_60 = arith.constant 0 : i32
    %dma_wait3A_61 = arith.constant 0 : i32
    %dma_wait3A_62 = tpu.memref_slice %arg4[%dma_wait3A_48, %dma_wait3A_60, %dma_wait3A_61] : memref<26x32x4096xf32, #tpu.memory_space<hbm>> -> memref<1x32x4096xf32, #tpu.memory_space<hbm>>
    %dma_wait3A_63 = tpu.memref_squeeze %dma_wait3A_62 : memref<1x32x4096xf32, #tpu.memory_space<hbm>> -> memref<32x4096xf32, #tpu.memory_space<hbm>>
    %dma_wait3A_64 = arith.constant 0 : i32
    %dma_wait3A_65 = tpu.memref_slice %dma_wait3A_63[%dma_wait3A_49, %dma_wait3A_64] : memref<32x4096xf32, #tpu.memory_space<hbm>> -> memref<1x4096xf32, #tpu.memory_space<hbm>>
    %dma_wait3A_66 = tpu.memref_squeeze %dma_wait3A_65 : memref<1x4096xf32, #tpu.memory_space<hbm>> -> memref<4096xf32, #tpu.memory_space<hbm>>
    %dma_wait3A_67 = arith.constant 0 : i32
    %dma_wait3A_68 = tpu.memref_slice %arg7[%dma_wait3A, %dma_wait3A_67] : memref<2x4096xf32, #tpu.memory_space<vmem>> -> memref<1x4096xf32, #tpu.memory_space<vmem>>
    %dma_wait3A_69 = tpu.memref_squeeze %dma_wait3A_68 : memref<1x4096xf32, #tpu.memory_space<vmem>> -> memref<4096xf32, #tpu.memory_space<vmem>>
    tpu.wait_dma2 semaphore(%arg9 : memref<!tpu.dma_semaphore, #tpu.memory_space<semaphore_mem>>) src(%dma_wait3A_69 : memref<4096xf32, #tpu.memory_space<vmem>>) dst(%dma_wait3A_66 : memref<4096xf32, #tpu.memory_space<hbm>>)
    return
  }
}

module attributes {stable_mosaic.version = 14 : i64} {
  func.func @_mlp_body(%arg0: memref<4096x832xf32, #tpu.memory_space<vmem>>, %arg1: memref<4096x13xf32, #tpu.memory_space<vmem>>, %arg2: memref<1x13xf32, #tpu.memory_space<vmem>>, %arg3: memref<1x13xf32, #tpu.memory_space<vmem>>, %arg4: memref<512x832xf32, #tpu.memory_space<vmem>>, %arg5: memref<512x13xf32, #tpu.memory_space<vmem>>, %arg6: memref<1x512xf32, #tpu.memory_space<vmem>>, %arg7: memref<1x512xf32, #tpu.memory_space<vmem>>, %arg8: memref<1x512xf32, #tpu.memory_space<vmem>>, %arg9: memref<256x512xf32, #tpu.memory_space<vmem>>, %arg10: memref<1x256xf32, #tpu.memory_space<vmem>>, %arg11: memref<1x256xf32, #tpu.memory_space<vmem>>, %arg12: memref<1x256xf32, #tpu.memory_space<vmem>>, %arg13: memref<100x256xf32, #tpu.memory_space<vmem>>, %arg14: memref<1x100xf32, #tpu.memory_space<vmem>>, %arg15: memref<4096x100xf32, #tpu.memory_space<vmem>>) attributes {dimension_semantics = [], scalar_prefetch = 0 : i64, scratch_operands = 0 : i64, tpu.core_type = #tpu.core_type<tc>} {
    %get3A = arith.constant 0 : index
    %get3A_0 = arith.constant 0 : index
    %get3A_1 = vector.load %arg1[%get3A, %get3A_0] : memref<4096x13xf32, #tpu.memory_space<vmem>>, vector<4096x13xf32>
    %get3A_2 = arith.constant 0 : index
    %get3A_3 = arith.constant 0 : index
    %get3A_4 = vector.load %arg2[%get3A_2, %get3A_3] : memref<1x13xf32, #tpu.memory_space<vmem>>, vector<1x13xf32>
    %get3A_5 = arith.constant 0 : index
    %get3A_6 = arith.constant 0 : index
    %get3A_7 = vector.load %arg3[%get3A_5, %get3A_6] : memref<1x13xf32, #tpu.memory_space<vmem>>, vector<1x13xf32>
    %reduce_sum3A = arith.constant dense<0.000000e+00> : vector<13xf32>
    %reduce_sum3A_8 = vector.multi_reduction <add>, %get3A_1, %reduce_sum3A [0] : vector<4096x13xf32> to vector<13xf32>
    %broadcast_in_dim3A = vector.shape_cast %reduce_sum3A_8 : vector<13xf32> to vector<1x13xf32>
    %div3A = arith.constant 4.096000e+03 : f32
    %div3A_9 = vector.broadcast %div3A : f32 to vector<1x13xf32>
    %div3A_10 = arith.divf %broadcast_in_dim3A, %div3A_9 : vector<1x13xf32>
    %sub3A = vector.broadcast %div3A_10 : vector<1x13xf32> to vector<4096x13xf32>
    %sub3A_11 = arith.subf %get3A_1, %sub3A : vector<4096x13xf32>
    %sub3A_12 = vector.broadcast %div3A_10 : vector<1x13xf32> to vector<4096x13xf32>
    %sub3A_13 = arith.subf %get3A_1, %sub3A_12 : vector<4096x13xf32>
    %mul3A = arith.mulf %sub3A_11, %sub3A_13 : vector<4096x13xf32>
    %reduce_sum3A_14 = arith.constant dense<0.000000e+00> : vector<13xf32>
    %reduce_sum3A_15 = vector.multi_reduction <add>, %mul3A, %reduce_sum3A_14 [0] : vector<4096x13xf32> to vector<13xf32>
    %broadcast_in_dim3A_16 = vector.shape_cast %reduce_sum3A_15 : vector<13xf32> to vector<1x13xf32>
    %div3A_17 = arith.constant 4.096000e+03 : f32
    %div3A_18 = vector.broadcast %div3A_17 : f32 to vector<1x13xf32>
    %div3A_19 = arith.divf %broadcast_in_dim3A_16, %div3A_18 : vector<1x13xf32>
    %sub3A_20 = vector.broadcast %div3A_10 : vector<1x13xf32> to vector<4096x13xf32>
    %sub3A_21 = arith.subf %get3A_1, %sub3A_20 : vector<4096x13xf32>
    %mul3A_22 = vector.broadcast %get3A_4 : vector<1x13xf32> to vector<4096x13xf32>
    %mul3A_23 = arith.mulf %mul3A_22, %sub3A_21 : vector<4096x13xf32>
    %add3A = arith.constant 9.99999974E-6 : f32
    %add3A_24 = vector.broadcast %add3A : f32 to vector<1x13xf32>
    %add3A_25 = arith.addf %div3A_19, %add3A_24 : vector<1x13xf32>
    %sqrt3A = math.sqrt %add3A_25 : vector<1x13xf32>
    %div3A_26 = vector.broadcast %sqrt3A : vector<1x13xf32> to vector<4096x13xf32>
    %div3A_27 = arith.divf %mul3A_23, %div3A_26 : vector<4096x13xf32>
    %add3A_28 = vector.broadcast %get3A_7 : vector<1x13xf32> to vector<4096x13xf32>
    %add3A_29 = arith.addf %div3A_27, %add3A_28 : vector<4096x13xf32>
    %get3A_30 = arith.constant 0 : index
    %get3A_31 = arith.constant 0 : index
    %get3A_32 = vector.load %arg0[%get3A_30, %get3A_31] : memref<4096x832xf32, #tpu.memory_space<vmem>>, vector<4096x832xf32>
    %get3A_33 = arith.constant 0 : index
    %get3A_34 = arith.constant 0 : index
    %get3A_35 = vector.load %arg4[%get3A_33, %get3A_34] : memref<512x832xf32, #tpu.memory_space<vmem>>, vector<512x832xf32>
    %dot_general3A = arith.constant dense<0.000000e+00> : vector<4096x512xf32>
    %dot_general3A_36 = tpu.matmul %get3A_32, %get3A_35, %dot_general3A {dimension_numbers = #tpu.dot_dimension_numbers<[1], [1], [0], [0], [0, 0, 1, 0], [], []>, transpose_lhs_hint = false} : vector<4096x832xf32>, vector<512x832xf32>, vector<4096x512xf32> -> vector<4096x512xf32>
    %get3A_37 = arith.constant 0 : index
    %get3A_38 = arith.constant 0 : index
    %get3A_39 = vector.load %arg5[%get3A_37, %get3A_38] : memref<512x13xf32, #tpu.memory_space<vmem>>, vector<512x13xf32>
    %dot_general3A_40 = arith.constant dense<0.000000e+00> : vector<4096x512xf32>
    %dot_general3A_41 = tpu.matmul %add3A_29, %get3A_39, %dot_general3A_40 {dimension_numbers = #tpu.dot_dimension_numbers<[1], [1], [0], [0], [0, 0, 1, 0], [], []>, transpose_lhs_hint = false} : vector<4096x13xf32>, vector<512x13xf32>, vector<4096x512xf32> -> vector<4096x512xf32>
    %add3A_42 = arith.addf %dot_general3A_36, %dot_general3A_41 : vector<4096x512xf32>
    %get3A_43 = arith.constant 0 : index
    %get3A_44 = arith.constant 0 : index
    %get3A_45 = vector.load %arg6[%get3A_43, %get3A_44] : memref<1x512xf32, #tpu.memory_space<vmem>>, vector<1x512xf32>
    %add3A_46 = vector.broadcast %get3A_45 : vector<1x512xf32> to vector<4096x512xf32>
    %add3A_47 = arith.addf %add3A_42, %add3A_46 : vector<4096x512xf32>
    %max3A = arith.constant 0.000000e+00 : f32
    %max3A_48 = vector.broadcast %max3A : f32 to vector<4096x512xf32>
    %max3A_49 = arith.maximumf %add3A_47, %max3A_48 : vector<4096x512xf32>
    %get3A_50 = arith.constant 0 : index
    %get3A_51 = arith.constant 0 : index
    %get3A_52 = vector.load %arg7[%get3A_50, %get3A_51] : memref<1x512xf32, #tpu.memory_space<vmem>>, vector<1x512xf32>
    %get3A_53 = arith.constant 0 : index
    %get3A_54 = arith.constant 0 : index
    %get3A_55 = vector.load %arg8[%get3A_53, %get3A_54] : memref<1x512xf32, #tpu.memory_space<vmem>>, vector<1x512xf32>
    %reduce_sum3A_56 = arith.constant dense<0.000000e+00> : vector<512xf32>
    %reduce_sum3A_57 = vector.multi_reduction <add>, %max3A_49, %reduce_sum3A_56 [0] : vector<4096x512xf32> to vector<512xf32>
    %broadcast_in_dim3A_58 = vector.shape_cast %reduce_sum3A_57 : vector<512xf32> to vector<1x512xf32>
    %div3A_59 = arith.constant 4.096000e+03 : f32
    %div3A_60 = vector.broadcast %div3A_59 : f32 to vector<1x512xf32>
    %div3A_61 = arith.divf %broadcast_in_dim3A_58, %div3A_60 : vector<1x512xf32>
    %sub3A_62 = vector.broadcast %div3A_61 : vector<1x512xf32> to vector<4096x512xf32>
    %sub3A_63 = arith.subf %max3A_49, %sub3A_62 : vector<4096x512xf32>
    %sub3A_64 = vector.broadcast %div3A_61 : vector<1x512xf32> to vector<4096x512xf32>
    %sub3A_65 = arith.subf %max3A_49, %sub3A_64 : vector<4096x512xf32>
    %mul3A_66 = arith.mulf %sub3A_63, %sub3A_65 : vector<4096x512xf32>
    %reduce_sum3A_67 = arith.constant dense<0.000000e+00> : vector<512xf32>
    %reduce_sum3A_68 = vector.multi_reduction <add>, %mul3A_66, %reduce_sum3A_67 [0] : vector<4096x512xf32> to vector<512xf32>
    %broadcast_in_dim3A_69 = vector.shape_cast %reduce_sum3A_68 : vector<512xf32> to vector<1x512xf32>
    %div3A_70 = arith.constant 4.096000e+03 : f32
    %div3A_71 = vector.broadcast %div3A_70 : f32 to vector<1x512xf32>
    %div3A_72 = arith.divf %broadcast_in_dim3A_69, %div3A_71 : vector<1x512xf32>
    %sub3A_73 = vector.broadcast %div3A_61 : vector<1x512xf32> to vector<4096x512xf32>
    %sub3A_74 = arith.subf %max3A_49, %sub3A_73 : vector<4096x512xf32>
    %mul3A_75 = vector.broadcast %get3A_52 : vector<1x512xf32> to vector<4096x512xf32>
    %mul3A_76 = arith.mulf %mul3A_75, %sub3A_74 : vector<4096x512xf32>
    %add3A_77 = arith.constant 9.99999974E-6 : f32
    %add3A_78 = vector.broadcast %add3A_77 : f32 to vector<1x512xf32>
    %add3A_79 = arith.addf %div3A_72, %add3A_78 : vector<1x512xf32>
    %sqrt3A_80 = math.sqrt %add3A_79 : vector<1x512xf32>
    %div3A_81 = vector.broadcast %sqrt3A_80 : vector<1x512xf32> to vector<4096x512xf32>
    %div3A_82 = arith.divf %mul3A_76, %div3A_81 : vector<4096x512xf32>
    %add3A_83 = vector.broadcast %get3A_55 : vector<1x512xf32> to vector<4096x512xf32>
    %add3A_84 = arith.addf %div3A_82, %add3A_83 : vector<4096x512xf32>
    %get3A_85 = arith.constant 0 : index
    %get3A_86 = arith.constant 0 : index
    %get3A_87 = vector.load %arg9[%get3A_85, %get3A_86] : memref<256x512xf32, #tpu.memory_space<vmem>>, vector<256x512xf32>
    %dot_general3A_88 = arith.constant dense<0.000000e+00> : vector<4096x256xf32>
    %dot_general3A_89 = tpu.matmul %add3A_84, %get3A_87, %dot_general3A_88 {dimension_numbers = #tpu.dot_dimension_numbers<[1], [1], [0], [0], [0, 0, 1, 0], [], []>, transpose_lhs_hint = false} : vector<4096x512xf32>, vector<256x512xf32>, vector<4096x256xf32> -> vector<4096x256xf32>
    %get3A_90 = arith.constant 0 : index
    %get3A_91 = arith.constant 0 : index
    %get3A_92 = vector.load %arg10[%get3A_90, %get3A_91] : memref<1x256xf32, #tpu.memory_space<vmem>>, vector<1x256xf32>
    %add3A_93 = vector.broadcast %get3A_92 : vector<1x256xf32> to vector<4096x256xf32>
    %add3A_94 = arith.addf %dot_general3A_89, %add3A_93 : vector<4096x256xf32>
    %max3A_95 = arith.constant 0.000000e+00 : f32
    %max3A_96 = vector.broadcast %max3A_95 : f32 to vector<4096x256xf32>
    %max3A_97 = arith.maximumf %add3A_94, %max3A_96 : vector<4096x256xf32>
    %get3A_98 = arith.constant 0 : index
    %get3A_99 = arith.constant 0 : index
    %get3A_100 = vector.load %arg11[%get3A_98, %get3A_99] : memref<1x256xf32, #tpu.memory_space<vmem>>, vector<1x256xf32>
    %get3A_101 = arith.constant 0 : index
    %get3A_102 = arith.constant 0 : index
    %get3A_103 = vector.load %arg12[%get3A_101, %get3A_102] : memref<1x256xf32, #tpu.memory_space<vmem>>, vector<1x256xf32>
    %reduce_sum3A_104 = arith.constant dense<0.000000e+00> : vector<256xf32>
    %reduce_sum3A_105 = vector.multi_reduction <add>, %max3A_97, %reduce_sum3A_104 [0] : vector<4096x256xf32> to vector<256xf32>
    %broadcast_in_dim3A_106 = vector.shape_cast %reduce_sum3A_105 : vector<256xf32> to vector<1x256xf32>
    %div3A_107 = arith.constant 4.096000e+03 : f32
    %div3A_108 = vector.broadcast %div3A_107 : f32 to vector<1x256xf32>
    %div3A_109 = arith.divf %broadcast_in_dim3A_106, %div3A_108 : vector<1x256xf32>
    %sub3A_110 = vector.broadcast %div3A_109 : vector<1x256xf32> to vector<4096x256xf32>
    %sub3A_111 = arith.subf %max3A_97, %sub3A_110 : vector<4096x256xf32>
    %sub3A_112 = vector.broadcast %div3A_109 : vector<1x256xf32> to vector<4096x256xf32>
    %sub3A_113 = arith.subf %max3A_97, %sub3A_112 : vector<4096x256xf32>
    %mul3A_114 = arith.mulf %sub3A_111, %sub3A_113 : vector<4096x256xf32>
    %reduce_sum3A_115 = arith.constant dense<0.000000e+00> : vector<256xf32>
    %reduce_sum3A_116 = vector.multi_reduction <add>, %mul3A_114, %reduce_sum3A_115 [0] : vector<4096x256xf32> to vector<256xf32>
    %broadcast_in_dim3A_117 = vector.shape_cast %reduce_sum3A_116 : vector<256xf32> to vector<1x256xf32>
    %div3A_118 = arith.constant 4.096000e+03 : f32
    %div3A_119 = vector.broadcast %div3A_118 : f32 to vector<1x256xf32>
    %div3A_120 = arith.divf %broadcast_in_dim3A_117, %div3A_119 : vector<1x256xf32>
    %sub3A_121 = vector.broadcast %div3A_109 : vector<1x256xf32> to vector<4096x256xf32>
    %sub3A_122 = arith.subf %max3A_97, %sub3A_121 : vector<4096x256xf32>
    %mul3A_123 = vector.broadcast %get3A_100 : vector<1x256xf32> to vector<4096x256xf32>
    %mul3A_124 = arith.mulf %mul3A_123, %sub3A_122 : vector<4096x256xf32>
    %add3A_125 = arith.constant 9.99999974E-6 : f32
    %add3A_126 = vector.broadcast %add3A_125 : f32 to vector<1x256xf32>
    %add3A_127 = arith.addf %div3A_120, %add3A_126 : vector<1x256xf32>
    %sqrt3A_128 = math.sqrt %add3A_127 : vector<1x256xf32>
    %div3A_129 = vector.broadcast %sqrt3A_128 : vector<1x256xf32> to vector<4096x256xf32>
    %div3A_130 = arith.divf %mul3A_124, %div3A_129 : vector<4096x256xf32>
    %add3A_131 = vector.broadcast %get3A_103 : vector<1x256xf32> to vector<4096x256xf32>
    %add3A_132 = arith.addf %div3A_130, %add3A_131 : vector<4096x256xf32>
    %get3A_133 = arith.constant 0 : index
    %get3A_134 = arith.constant 0 : index
    %get3A_135 = vector.load %arg13[%get3A_133, %get3A_134] : memref<100x256xf32, #tpu.memory_space<vmem>>, vector<100x256xf32>
    %dot_general3A_136 = arith.constant dense<0.000000e+00> : vector<4096x100xf32>
    %dot_general3A_137 = tpu.matmul %add3A_132, %get3A_135, %dot_general3A_136 {dimension_numbers = #tpu.dot_dimension_numbers<[1], [1], [0], [0], [0, 0, 1, 0], [], []>, transpose_lhs_hint = false} : vector<4096x256xf32>, vector<100x256xf32>, vector<4096x100xf32> -> vector<4096x100xf32>
    %get3A_138 = arith.constant 0 : index
    %get3A_139 = arith.constant 0 : index
    %get3A_140 = vector.load %arg14[%get3A_138, %get3A_139] : memref<1x100xf32, #tpu.memory_space<vmem>>, vector<1x100xf32>
    %add3A_141 = vector.broadcast %get3A_140 : vector<1x100xf32> to vector<4096x100xf32>
    %add3A_142 = arith.addf %dot_general3A_137, %add3A_141 : vector<4096x100xf32>
    %swap3A = arith.constant 0 : index
    %swap3A_143 = arith.constant 0 : index
    %swap3A_144 = vector.load %arg15[%swap3A, %swap3A_143] : memref<4096x100xf32, #tpu.memory_space<vmem>>, vector<4096x100xf32>
    tpu.vector_store %arg15[%swap3A, %swap3A_143], %add3A_142 {strides = array<i32>} : memref<4096x100xf32, #tpu.memory_space<vmem>>, vector<4096x100xf32>,
    return
  }
}

</mosaic_0001>

<sc_bundles>
// kernel: kernel.4.cloned.1.call-start
scs
__scs_entry_jumppad:
0x0: {  	(pc) =	sbr.rel $0x88, $3  }
0x1: {  	(tag) =	ssettag $0x0;
	lr =	simm.s32 $0x1  }
0x2: {  	[smem:$0x3F92] =	sst lr;
	_ =	strace $0xD0000000  }
0x3: {  	_ = 	snop  }
0x4: {  	_ = 	snop  }
0x5: {  	_ = 	snop  }
0x6: {  	_ = 	snop  }
0x7: {  	_ = 	snop  }
__scs_overlays_trampoline_lowered:
0x8: {  	[smem:$0x3FA1] =	sst s0  }
0x9: {  	[smem:$0x3FA2] =	sst s1  }
0xa: {  	[smem:$0x3FA3] =	sst s2  }
0xb: {  	[smem:$0x3FA4] =	sst s3  }
0xc: {  	[smem:$0x3FA5] =	sst s4  }
0xd: {  	[smem:$0x3FA6] =	sst s5  }
0xe: {  	[smem:$0x3FA7] =	sst s6  }
0xf: {  	[smem:$0x3FA8] =	sst s7  }
0x10: {  	[smem:$0x3FA9] =	sst s8  }
0x11: {  	[smem:$0x3FAA] =	sst s9;
	s0 =	simm.s32 @!p0 $0x0  }
0x12: {  	s1 =	sld [smem:$0x3F90];
	s0 =	simm.s32 @p0 $0x1  }
0x13: {  	[smem:$0x3FAB] =	sst s0;
	s0 =	simm.s32 @!p1 $0x0  }
0x14: {  	s2 =	sld [smem:$0x3F8F];
	s0 =	simm.s32 @p1 $0x1  }
0x15: {  	[smem:$0x3FAC] =	sst s0;
	s0 =	simm.s32 @!p2 $0x0  }
0x16: {  	s3 =	sld [smem:$0x3FDB];
	s0 =	simm.s32 @p2 $0x1  }
0x17: {  	s4 =	simm.s32 $0x1BF5;
	[smem:$0x3FAE] =	sst s0  }
0x18: {  	s0 =	sld [smem:$0x3F91];
	_ =	swait.ge [sflag:s4], $0x0  }
0x19: {  	s7 =	sld [smem:$0x3F92]  }
0x1a: {  	s8 =	sadd.s32 $0xFFFFE003, lr  }
0x1b: {  	s9 =	sadd.s32 $0xFFFFFEF7, lr;
	s5 =	simm.s32 $0xFFFFFFFF;
	p2 =	slt.u32 s8, $0xFFFFF086  }
0x1c: {  	p1 =	slt.u32 s9, $0xF7A;
	s5 =	simm.s32 @!p2 $0x0  }
0x1d: {  	s5 =	simm.s32 @p1 $0x1;
	p0 =	seq.s32 s7, s2  }
0x1e: {  	s7 =	smul.u32 @!p0 $0xF7A, s2;
	p2 =	seq.s32 @!p0 s5, $0x0  }
0x1f: {  	s9 =	smul.u32 $0xF7A, s1;
	s8 =	simm.s32 @!p0 $0x1BF5;
	p2 =	por !p2, p0  }
0x20: {  	[sflag:s8] =	ssyncset.s32 @!p0 $0xFFFFF086;
	s6 =	sadd.s32 @!p0 s3, s7;
	s7 =	simm.s32 @!p0 $0x108  }
0x21: {  	s3 =	sadd.s32 s3, s9;
	s6 =	sadd.s32 @!p0 $0x88, s6;
	s7 =	simm.s32 @p2 $0x1082  }
0x22: {  	[simem:s7], [sflag:s8] =	dma.local @!p0 [hbm:s6], $0xF7A  }
0x23: {  	s9 =	sor.u32 $0xD0000000, s2;
	s6 =	simm.s32 $0x108;
	_ =	swait.ge @!p0 [sflag:s8], $0x0  }
0x24: {  	s3 =	sadd.s32 $0x88, s3;
	s6 =	simm.s32 @!p1 $0x1082;
	[sflag:s4] =	ssyncset.s32 $0xFFFFF086  }
0x25: {  	[simem:s6], [sflag:s4] =	dma.local [hbm:s3], $0xF7A  }
0x26: {  	[smem:$0x3F92] =	sst s1;
	(tag) =	ssettag s2;
	_ =	strace s9  }
0x27: {  	s1 =	sld [smem:$0x3FA2]  }
0x28: {  	s2 =	sld [smem:$0x3FA3]  }
0x29: {  	s4 =	sld [smem:$0x3FA5]  }
0x2a: {  	p0 =	seq.s32 s5, $0x0;
	s5 =	sld [smem:$0x3FA6]  }
0x2b: {  	s6 =	sld [smem:$0x3FA7]  }
0x2c: {  	s7 =	sld [smem:$0x3FA8]  }
0x2d: {  	s3 =	simm.s32 $0x108;
	s8 =	sld [smem:$0x3FA9]  }
0x2e: {  	s3 =	simm.s32 @!p0 $0x1082;
	s9 =	sld [smem:$0x3FAA]  }
0x2f: {  	lr =	sadd.s32 s0, s3;
	s0 =	sld [smem:$0x3FA1]  }
0x30: {  	s3 =	sld [smem:$0x3FA4]  }
0x31: {  	[smem:$0x3FAD] =	sst s10  }
0x32: {  	s10 =	sld [smem:$0x3FAB];
	_ =	sdelay $0x3  }
0x33: {  	p0 =	seq.s32 s10, $0x1;
	s10 =	sld [smem:$0x3FAD];
	_ =	sdelay $0x3  }
0x34: {  	[smem:$0x3FAD] =	sst s10  }
0x35: {  	s10 =	sld [smem:$0x3FAC];
	_ =	sdelay $0x3  }
0x36: {  	p1 =	seq.s32 s10, $0x1;
	s10 =	sld [smem:$0x3FAD];
	_ =	sdelay $0x3  }
0x37: {  	[smem:$0x3FAD] =	sst s10  }
0x38: {  	s10 =	sld [smem:$0x3FAE]  }
0x39: {  	_ = 	snop;
	(pc) =	sbr.ind lr, $3  }
0x3a: {  	_ = 	snop  }
0x3b: {  	_ = 	snop  }
0x3c: {  	p2 =	seq.s32 s10, $0x1;
	s10 =	sld [smem:$0x3FAD]  }
0x3d: {  	_ =	shalt  }
0x3e: {  	_ =	shalt  }
0x3f: {  	_ =	shalt  }
0x40: {  	_ =	shalt  }
0x41: {  	_ =	shalt  }
0x42: {  	_ =	shalt  }
0x43: {  	_ =	shalt  }
0x44: {  	_ =	shalt  }
0x45: {  	_ =	shalt  }
0x46: {  	_ =	shalt  }
0x47: {  	_ =	shalt  }
0x48: {  	_ =	shalt  }
0x49: {  	_ =	shalt  }
0x4a: {  	_ =	shalt  }
0x4b: {  	_ =	shalt  }
0x4c: {  	_ =	shalt  }
0x4d: {  	_ =	shalt  }
0x4e: {  	_ =	shalt  }
0x4f: {  	_ =	shalt  }
0x50: {  	_ =	shalt  }
0x51: {  	_ =	shalt  }
0x52: {  	_ =	shalt  }
0x53: {  	_ =	shalt  }
0x54: {  	_ =	shalt  }
0x55: {  	_ =	shalt  }
0x56: {  	_ =	shalt  }
0x57: {  	_ =	shalt  }
0x58: {  	_ =	shalt  }
0x59: {  	_ =	shalt  }
0x5a: {  	_ =	shalt  }
0x5b: {  	_ =	shalt  }
0x5c: {  	_ =	shalt  }
0x5d: {  	_ =	shalt  }
0x5e: {  	_ =	shalt  }
0x5f: {  	_ =	shalt  }
0x60: {  	_ =	shalt  }
0x61: {  	_ =	shalt  }
0x62: {  	_ =	shalt  }
0x63: {  	_ =	shalt  }
0x64: {  	_ =	shalt  }
0x65: {  	_ =	shalt  }
0x66: {  	_ =	shalt  }
0x67: {  	_ =	shalt  }
0x68: {  	_ =	shalt  }
0x69: {  	_ =	shalt  }
0x6a: {  	_ =	shalt  }
0x6b: {  	_ =	shalt  }
0x6c: {  	_ =	shalt  }
0x6d: {  	_ =	shalt  }
0x6e: {  	_ =	shalt  }
0x6f: {  	_ =	shalt  }
0x70: {  	_ =	shalt  }
0x71: {  	_ =	shalt  }
0x72: {  	_ =	shalt  }
0x73: {  	_ =	shalt  }
0x74: {  	_ =	shalt  }
0x75: {  	_ =	shalt  }
0x76: {  	_ =	shalt  }
0x77: {  	_ =	shalt  }
0x78: {  	_ =	shalt  }
0x79: {  	_ =	shalt  }
0x7a: {  	_ =	shalt  }
0x7b: {  	_ =	shalt  }
0x7c: {  	_ =	shalt  }
0x7d: {  	_ =	shalt  }
0x7e: {  	_ =	shalt  }
0x7f: {  	_ =	shalt  }
0x80: {  	_ =	shalt  }
0x81: {  	_ =	shalt  }
0x82: {  	_ =	shalt  }
0x83: {  	_ =	shalt  }
0x84: {  	_ =	shalt  }
0x85: {  	_ =	shalt  }
0x86: {  	_ =	shalt  }
0x87: {  	_ =	shalt  }
.Lfunc_end0:
.L_simem_size_0:
called_computation_lowered:
.L_overlay_start_0:
0x88: {  	s2 =	sld [smem:$0x3FD9]  }
0x89: {  	s3 =	sld [smem:$0x3FFE];
	_ =	sdelay $0x1  }
0x8a: {  	s1 =	srdreg.scid  }
0x8b: {  	s0 =	sand.u32 $0x1, s1  }
0x8c: {  	s17 =	sshll.u32 s0, $0xA;
	s2 =	sadd.s32 s3, s2  }
0x8d: {  	s2 =	sadd.s32 s2, s17  }
0x8e: {  	[smem:$0x3FB9] =	sst s2  }
0x8f: {  	_ = 	snop  }
0x90: {  	s2 =	sld [smem:$0x3FD0];
	(tm) =	ssettm $0x1  }
0x91: {  	s18 =	sld [smem:$0x3FFB];
	_ =	sdelay $0x3  }
0x92: {  	_ =	strace s18  }
0x93: {  	s3 =	sld [smem:$0x3FFC];
	_ =	sdelay $0x3  }
0x94: {  	_ =	strace s3  }
0x95: {  	s3 =	sld [smem:$0x3FFD];
	_ =	sdelay $0x3  }
0x96: {  	_ =	strace s3  }
0x97: {  	_ =	strace $0x8FFFFFFF  }
0x98: {  	s19 =	sld [smem:$0x3FDB];
	_ =	sdelay $0x1  }
0x99: {  	s4 =	simm.s32 $_scs_section_size  }
0x9a: {  	s5 =	simm.s32 $_size__tile_overlayer_lowered;
	s6 =	simm.s32 $_tile_overlayer_lowered  }
0x9b: {  	s22 =	simm.s32 $0x1BFF;
	s21 =	sshll.u32 s6, $0x1;
	s3 =	sadd.s32 s4, s19  }
0x9c: {  	s7 =	simm.s32 $0x0;
	s20 =	sshll.u32 s5, $0x1;
	s5 =	sadd.s32 s21, s3  }
0x9d: {  	[timem:s7], [sflag:s22] =	dma.local [hbm:s5], s20  }
0x9e: {  	_ =	swait.ge [sflag:s22], s20  }
0x9f: {  	s4 =	ssub.s32 $0x0, s20;
	[sflag:s22] =	ssyncset.done $0x0  }
0xa0: {  	[sflag:s22] =	ssyncadd.s32 s4;
	_ =	sdelay $0x1  }
0xa1: {  	s23 =	simm.s32 $0x1B8B  }
0xa2: {  	_ =	swait.ge [sflag:s23], $0x1  }
0xa3: {  	[sflag:s23] =	ssyncset.done $0x0  }
0xa4: {  	s25 =	simm.s32 $0x1B8E;
	s24 =	sld [smem:$0x3FFE];
	[sflag:s23] =	ssyncadd.s32 $0xFFFFFFFF  }
0xa5: {  	s26 =	simm.s32 $execute0_lowered;
	[smem:$0x3FD2] =	sst s25  }
0xa6: {  	s5 =	sshll.u32 s26, $0x1;
	_ =	strace $0x80000046;
	[dreg:$0x1] =	wrdreg $0xFFFFFFFF  }
0xa7: {  	s28 =	simm.s32 $_size_execute0_lowered;
	s3 =	sadd.s32 s3, s5;
	[dreg:$0x0] =	wrdreg $0x0  }
0xa8: {  	s5 =	sshll.u32 s28, $0x1;
	[dreg:$0x2] =	wrdreg s3  }
0xa9: {  	[dreg:$0x3] =	wrdreg s5  }
0xaa: {  	[dreg:$0x4] =	wrdreg $0xC0  }
0xab: {  	_ =	task [dreg:s7], $0x5FFFF  }
0xac: {  	[dreg:$0x1] =	wrdreg $0xFFFFFFFF  }
0xad: {  	[dreg:$0x0] =	wrdreg $0x60  }
0xae: {  	[dreg:$0x2] =	wrdreg s24  }
0xaf: {  	[dreg:$0x3] =	wrdreg s2  }
0xb0: {  	[dreg:$0x4] =	wrdreg $0x9  }
0xb1: {  	_ =	task.clear_ibuf [dreg:s7], $0x5FFFF;
	_ =	strace $0x90000046  }
0xb2: {  	s29 =	simm.s32 $0x9;
	_ =	strace $0x80000048  }
0xb3: {  	_ =	swait.ge [sflag:s29], $0x1  }
0xb4: {  	[sflag:s29] =	ssyncadd.s32 $0xFFFFFFFF  }
0xb5: {  	_ =	strace $0x90000048  }
0xb6: {  	_ =	sfence  }
0xb7: {  	s30 =	sld [smem:$0x0];
	_ =	sdelay $0x2  }
0xb8: {  	s31 =	sshll.u32 s1, $0xD;
	s1 =	sshrl.u32 s1, $0x2  }
0xb9: {  	s3 =	sand.u32 $0x4000, s31;
	s1 =	sadd.s32 s1, s30  }
0xba: {  	s0 =	sor.u32 s3, s0;
	s1 =	sshll.u32 s1, $0x11  }
0xbb: {  	s0 =	sor.u32 s1, s0  }
0xbc: {  	s0 =	sadd.s32 $0x8F2B, s0  }
0xbd: {  	[sflag:s0] =	ssyncadd.remote.s32 $0x1  }
0xbe: {  	_ =	sfence.sel $0xFFFF  }
0xbf: {  	[dreg:$0x0] =	wrdreg $0xFFFFFFFF;
	(pc) =	sbr.abs _section_cstart, $3  }
0xc0: {  	[dreg:$0x1] =	wrdreg $0xFFFFFFFF  }
0xc1: {  	_ =	task.clear_ibuf [dreg:s7], $0x2FFFF;
	_ =	strace $0x9FFFFFFF  }
0xc2: {  	(tm) =	ssettm $0x7FFFFFFF  }
0xc3: {  	_ =	shalt  }
tec
execute0_lowered:
.L_overlay_start_1:
0x0: {  	(tag) =	ssettag $0x1  }
0x1: {  	s6 =	rddreg [dreg:$0x0];
	s1 =	srdreg.scid  }
0x2: {  	s0 =	stileid.u32;
	s2 =	rddreg [dreg:$0x1];
	s3 =	simm.s32 $0x0  }
0x3: {  	s11 =	simm.s32 $0x3;
	s12 =	simm.s32 $0x196A0;
	s13 =	simm.s32 $0x1A6A0  }
0x4: {  	s14 =	simm.s32 $0x1;
	s7 =	sand.u32 $0x1, s1;
	s4 =	sshll.u32 s0, $0x1  }
0x5: {  	s15 =	simm.s32 $0x2;
	s1 =	rddreg [dreg:$0x2];
	s4 =	sor.u32 s7, s4  }
0x6: {  	s16 =	simm.s32 $0x0;
	[smem:$0x7FF] =	sst s3;
	s4 =	smul.u32 $0x1A, s4  }
0x7: {  	s5 =	sadd.s32 $0x2600, s6;
	s6 =	sadd.s32 $0x9ED800, s6;
	s7 =	ssub.s32 $0x2, s7  }
0x8: {  	_ =	strace $0x80000047;
	s8 =	sshrl.u32 s7, $0x1;
	s9 =	sshll.u32 s4, $0x4  }
0x9: {  	s10 =	ssub.s32 s7, s8;
	s7 =	sshrl.u32 s4, $0x5;
	s31 =	sand.u32 $0x3E00, s9  }
0xa: {  	s9 =	smax.u32 s10, $0x1;
	s10 =	simm.s32 $0x186A0;
	s8 =	sadd.s32 s2, s31  }
.LBB2_1:
0xb: {  	[tilespmem:s10], [sflag:$0x3] =	stream.linear.gather [hbm4b:s8+s3], $0x1000, $0x38;
	[tilespmem:$0x1B6A0] =	vst v63  }
0xc: {  	_ =	swait.ge [sflag:s11], $0x1000  }
0xd: {  	[sflag:s11] =	ssyncset.done $0x0  }
0xe: {  	s18 =	smov.u32 s7;
	s17 =	simm.s32 $0x0;
	[sflag:s11] =	ssyncadd.s32 $0xFFFFF000  }
.LBB2_2:
0xf: {  	s19 =	sshll.u32 s17, $0x1  }
0x10: {  	s19 =	sadd.s32 s4, s19  }
0x11: {  	s20 =	smov.u32 s18;
	s18 =	sshrl.u32 s19, $0x5  }
0x12: {  	p0 =	seq.s32 s18, s20  }
0x13: {  	s20 =	sshll.u32 @!p0 s18, $0x9  }
0x14: {  	s20 =	sand.u32 @!p0 $0x1FFFFE00, s20  }
0x15: {  	s21 =	simm.s32 @!p0 $0x0;
	s22 =	simm.s32 @!p0 $0x186A0;
	s20 =	sadd.s32 @!p0 s2, s20  }
0x16: {  	[tilespmem:s22], [sflag:$0x3] =	stream.linear.gather @!p0 [hbm4b:s20+s21], $0x1000, $0x38;
	[tilespmem:$0x1B6A0] =	vst v63  }
0x17: {  	s19 =	sand.u32 $0x1E, s19;
	s28 =	smul.u32 $0x61A80, s18;
	s21 =	simm.s32 @!p0 $0x3  }
0x18: {  	s29 =	smul.u32 $0x30D4, s19;
	_ =	swait.ge @!p0 [sflag:s21], $0x1000  }
0x19: {  	s20 =	sadd.s32 s5, s28;
	[sflag:s21] =	ssyncset.done @!p0 $0x0  }
0x1a: {  	s31 =	simm.s32 $0x0;
	s30 =	sadd.s32 s29, s20;
	[sflag:s21] =	ssyncadd.s32 @!p0 $0xFFFFF000  }
0x1b: {  	[tilespmem:s31], [sflag:$0x3] =	stream.linear.gather [hbm4b:s30+s31], $0x186A0, $0x38;
	[tilespmem:$0x1B6A0] =	vst v63  }
0x1c: {  	_ =	swait.ge [sflag:s11], $0x186A0  }
0x1d: {  	[sflag:s11] =	ssyncset.done $0x0  }
0x1e: {  	s21 =	simm.s32 $0x0;
	[sflag:s11] =	ssyncadd.s32 $0xFFFE7960  }
0x1f: {  	v0 =	vld [tilespmem:s21+$0x186A0];
	_ =	sdelay $0x7  }
0x20: {  	s23 =	simm.s32 $0x80;
	s22 =	simm.s32 $0x10;
	v0 =	vld.idx.msk [tilespmem:v0+s3+$0x0], $0xffff  }
.LBB2_3:
0x21: {  	p0 =	sne.s32 s23, $0x3FC0;
	v1 =	vld [tilespmem:s22+$0x186A0];
	_ =	sdelay $0x3  }
.Ltmp0:
0x22: {  	(pc) =	sbr.rel @p0 .LBB2_3-.Ltmp0, $2  }
0x23: {  	[tilespmem:s21+$0x196A0] =	vst v0;
	s21 =	smov.u32 s22;
	_ =	sdelay $0x2  }
0x24: {  	s22 =	sshra.s32 s23, $0x2;
	s23 =	sadd.s32 $0x40, s23;
	v0 =	vld.idx.msk [tilespmem:v1+s3+$0x0], $0xffff  }
0x25: {  	v1 =	vld [tilespmem:s22+$0x186A0];
	_ =	sdelay $0x6  }
0x26: {  	[tilespmem:s21+$0x196A0] =	vst v0  }
0x27: {  	v0 =	vld.idx.msk [tilespmem:v1+s3+$0x0], $0xffff;
	_ =	sdelay $0x1  }
0x28: {  	s28 =	sshll.u32 s18, $0xE  }
0x29: {  	s21 =	sand.u32 $0x1FFFC000, s28  }
0x2a: {  	s23 =	sshll.u32 s19, $0x9;
	p0 =	seq.s32 s17, $0x0;
	s21 =	sadd.s32 s6, s21  }
0x2b: {  	s19 =	sor.u32 $0x1, s19;
	s29 =	sadd.s32 s23, s21;
	[tilespmem:s22+$0x196A0] =	vst v0;
	s22 =	simm.s32 @!p0 $0x2  }
0x2c: {  	[hbm4b:s29+s3] =	stream.linear.scatter [tilespmem:s12], [sflag:$0x1], $0x1000, $0x38;
	[tilespmem:$0x1B6A0] =	vst v63  }
0x2d: {  	s30 =	smul.u32 $0x30D4, s19;
	_ =	swait.ge @!p0 [sflag:s22], $0x1000  }
0x2e: {  	[sflag:s22] =	ssyncset.done @!p0 $0x0  }
0x2f: {  	s31 =	simm.s32 $0x0;
	s20 =	sadd.s32 s30, s20;
	[sflag:s22] =	ssyncadd.s32 @!p0 $0xFFFFF000  }
0x30: {  	[tilespmem:s31], [sflag:$0x3] =	stream.linear.gather [hbm4b:s20+s31], $0x186A0, $0x38;
	[tilespmem:$0x1B6A0] =	vst v63  }
0x31: {  	_ =	swait.ge [sflag:s11], $0x186A0  }
0x32: {  	[sflag:s11] =	ssyncset.done $0x0  }
0x33: {  	s20 =	simm.s32 $0x0;
	[sflag:s11] =	ssyncadd.s32 $0xFFFE7960  }
0x34: {  	v0 =	vld [tilespmem:s20+$0x186A0];
	_ =	sdelay $0x7  }
0x35: {  	s23 =	simm.s32 $0x80;
	s22 =	simm.s32 $0x10;
	v0 =	vld.idx.msk [tilespmem:v0+s3+$0x0], $0xffff  }
.LBB2_5:
0x36: {  	p0 =	sne.s32 s23, $0x3FC0;
	v1 =	vld [tilespmem:s22+$0x186A0];
	_ =	sdelay $0x3  }
.Ltmp1:
0x37: {  	(pc) =	sbr.rel @p0 .LBB2_5-.Ltmp1, $2  }
0x38: {  	[tilespmem:s20+$0x1A6A0] =	vst v0;
	s20 =	smov.u32 s22;
	_ =	sdelay $0x2  }
0x39: {  	s22 =	sshra.s32 s23, $0x2;
	s23 =	sadd.s32 $0x40, s23;
	v0 =	vld.idx.msk [tilespmem:v1+s3+$0x0], $0xffff  }
0x3a: {  	v1 =	vld [tilespmem:s22+$0x186A0];
	_ =	sdelay $0x6  }
0x3b: {  	[tilespmem:s20+$0x1A6A0] =	vst v0  }
0x3c: {  	v0 =	vld.idx.msk [tilespmem:v1+s3+$0x0], $0xffff;
	_ =	sdelay $0x2  }
0x3d: {  	s17 =	sadd.s32 $0x1, s17  }
0x3e: {  	s19 =	sshll.u32 s19, $0x9;
	p0 =	sne.s32 s17, $0xD  }
.Ltmp2:
0x3f: {  	s19 =	sadd.s32 s19, s21;
	[tilespmem:s22+$0x1A6A0] =	vst v0;
	(pc) =	sbr.rel @p0 .LBB2_2-.Ltmp2, $4  }
0x40: {  	[hbm4b:s19+s3] =	stream.linear.scatter [tilespmem:s13], [sflag:$0x2], $0x1000, $0x38;
	[tilespmem:$0x1B6A0] =	vst v63  }
0x41: {  	_ =	swait.ge [sflag:s14], $0x1000  }
0x42: {  	[sflag:s14] =	ssyncset.done $0x0  }
0x43: {  	[sflag:s14] =	ssyncadd.s32 $0xFFFFF000  }
0x44: {  	s16 =	sadd.s32 $0x1, s16  }
0x45: {  	p0 =	sne.s32 s16, s9  }
.Ltmp3:
0x46: {  	_ = 	snop;
	(pc) =	sbr.rel @p0 .LBB2_1-.Ltmp3, $4  }
0x47: {  	_ = 	snop  }
0x48: {  	_ =	swait.ge [sflag:s15], $0x1000  }
0x49: {  	[sflag:s15] =	ssyncset.done $0x0  }
0x4a: {  	[sflag:s15] =	ssyncadd.s32 $0xFFFFF000  }
0x4b: {  	_ =	sfence.sel $0x180000  }
0x4c: {  	[bflag:$0x0] =	sbarrier.arrive $0xFFFF  }
0x4d: {  	p0 =	sne.s32 s0, $0x0;
	_ =	strace $0x90000047  }
0x4e: {  	s0 =	sadd.s32 @!p0 $0x100000, s1;
	[bflag:$0x2] =	sbarrier.arrive $0xFFFF  }
0x4f: {  	[sflag:s0] =	ssyncadd.tile.s32 @!p0 $0x1;
	_ =	shalt  }
.Lfunc_end2:
_tile_overlayer_lowered:
.L_overlay_start_2:
0x50: {  	(tag) =	ssettag $0x2  }
0x51: {  	s0 =	rddreg [dreg:$0x0];
	s2 =	stileid.u32  }
0x52: {  	s1 =	rddreg [dreg:$0x1];
	p0 =	sne.s32 s2, $0x0  }
0x53: {  	s3 =	rddreg [dreg:$0x2];
	[bflag:$0x3] =	sbarrier.arrive $0xFFFF;
	s2 =	simm.s32 @!p0 $0x1C03  }
0x54: {  	[timem:s3], [sflag:s2] =	dma.local @!p0 [hbm:s0], s1  }
0x55: {  	s0 =	simm.s32 @!p0 $0x3  }
0x56: {  	_ =	swait.ge @!p0 [sflag:s0], s1  }
0x57: {  	s1 =	ssub.s32 @!p0 $0x0, s1;
	[sflag:s0] =	ssyncset.done @!p0 $0x0  }
0x58: {  	[sflag:s0] =	ssyncadd.s32 @!p0 s1  }
0x59: {  	[bflag:$0x3] =	sbarrier.arrive $0xFFFF  }
0x5a: {  	_ =	shalt  }

</sc_bundles>
